<compile_context>
chip_gen: v7x
topology: tpu7x:2x2x1
jax: 0.10.2.dev20260603
libtpu: 0.0.44.dev20260713+nightly
codegen_flags: <defaults>
</compile_context>

<pallas_src>
import functools

import jax
import jax.numpy as jnp
from jax import lax
from jax.experimental import pallas as pl
from jax.experimental.pallas import tpu as pltpu
from jax.experimental.pallas import tpu_sc as plsc

N_NODES = 10000
N_EDGES = 320000
D = 128
NC = 2
NS = 16
NW = NC * NS
EPW = N_EDGES // NW
K = 80
NB = EPW // K
ACC_N = 10240
RPT = ACC_N // NS
CH = ACC_N // D


def _sc_body(x_hbm, er_hbm, out_hbm, cnt_hbm,
             s0, s1, s2, d0, d1, d2, rows0, rows1, rows2, cnt, acc,
             semg0, semg1, semg2, sems,
             semi0, semi1, semi2, semd0, semd1, semd2):
    c = lax.axis_index("c")
    s = lax.axis_index("s")
    wid = c * NS + s

    zero16 = jnp.zeros((16,), jnp.float32)
    ones16 = jnp.ones((16,), jnp.float32)

    srcs = ((s0, semi0), (s1, semi1), (s2, semi2))
    dsts = ((d0, semd0), (d1, semd1), (d2, semd2))
    rows = ((rows0, semg0), (rows1, semg1), (rows2, semg2))

    def zcnt(i, carry):
        cnt[pl.ds(i * 16, 16)] = zero16
        return carry

    lax.fori_loop(0, ACC_N // 16, zcnt, 0)

    def zrow(r, carry):
        for i in range(D // 16):
            rows0[r, pl.ds(i * 16, 16)] = zero16
        return carry

    lax.fori_loop(0, K, zrow, 0)

    for i in range(RPT // K):
        pltpu.async_copy(rows0, acc.at[pl.ds(s * RPT + i * K, K), :], semi0)
    for i in range(RPT // K):
        pltpu.make_async_copy(
            rows0, acc.at[pl.ds(s * RPT + i * K, K), :], semi0).wait()
    plsc.subcore_barrier()

    def src_load(j, q):
        buf, sem = srcs[q]
        pltpu.async_copy(er_hbm.at[pl.ds(wid * EPW + j * K, K)], buf, sem)

    def src_wait(j, q):
        buf, sem = srcs[q]
        pltpu.make_async_copy(
            er_hbm.at[pl.ds(wid * EPW + j * K, K)], buf, sem).wait()

    def dst_load(j, q):
        buf, sem = dsts[q]
        pltpu.async_copy(
            er_hbm.at[pl.ds((NW + wid) * EPW + j * K, K)], buf, sem)

    def dst_wait(j, q):
        buf, sem = dsts[q]
        pltpu.make_async_copy(
            er_hbm.at[pl.ds((NW + wid) * EPW + j * K, K)], buf, sem).wait()

    def gather_start(q):
        buf, sem = rows[q]
        pltpu.async_copy(x_hbm.at[srcs[q][0]], buf, sem)

    def gather_wait(q):
        buf, sem = rows[q]
        pltpu.make_async_copy(x_hbm.at[srcs[q][0]], buf, sem).wait()

    def scatter_start(q):
        pltpu.async_copy(rows[q][0], acc.at[dsts[q][0]], sems, add=True)

    def scatter_wait(q):
        pltpu.make_async_copy(rows[q][0], acc.at[dsts[q][0]], sems).wait()

    def histogram(q):
        d = dsts[q][0]
        for g in range(K // 16):
            idx16 = d[pl.ds(g * 16, 16)]
            plsc.addupdate_scatter(cnt, [idx16], ones16)

    for j in range(3):
        src_load(j, j)
    for j in range(2):
        dst_load(j, j)
    src_wait(0, 0)
    gather_start(0)
    src_wait(1, 1)
    gather_start(1)

    def body(j3, carry):
        for u in range(3):
            j = j3 * 3 + u
            q = u
            qm = (u + 2) % 3
            gather_wait(q)

            @pl.when(j >= 1)
            def _():
                scatter_wait(qm)

            @pl.when(j + 2 < NB)
            def _():
                dst_load(j + 2, qm)
                src_wait(j + 2, qm)
                gather_start(qm)

            @pl.when(j + 3 < NB)
            def _():
                src_load(j + 3, q)

            dst_wait(j, q)
            histogram(q)
            scatter_start(q)

        return carry

    lax.fori_loop(0, NB // 3, body, 0)

    for j, q in ((NB - 2, 0), (NB - 1, 1)):
        gather_wait(q)
        scatter_wait((q + 2) % 3)
        dst_wait(j, q)
        histogram(q)
        scatter_start(q)
    scatter_wait(1)
    plsc.subcore_barrier()

    pltpu.async_copy(cnt, cnt_hbm.at[pl.ds(wid * ACC_N, ACC_N)], semi0)
    for i in range(RPT // K):
        r0 = s * RPT + i * K
        pltpu.async_copy(acc.at[pl.ds(r0, K), :],
                         out_hbm.at[c, pl.ds(r0, K), :], semi0)
    pltpu.make_async_copy(cnt, cnt_hbm.at[pl.ds(wid * ACC_N, ACC_N)],
                          semi0).wait()
    for i in range(RPT // K):
        r0 = s * RPT + i * K
        pltpu.make_async_copy(acc.at[pl.ds(r0, K), :],
                              out_hbm.at[c, pl.ds(r0, K), :], semi0).wait()


_sc_gather_scatter = functools.partial(
    pl.kernel,
    out_type=(jax.ShapeDtypeStruct((NC, ACC_N, D), jnp.float32),
              jax.ShapeDtypeStruct((NW * ACC_N,), jnp.float32)),
    mesh=plsc.VectorSubcoreMesh(core_axis_name="c", subcore_axis_name="s"),
    compiler_params=pltpu.CompilerParams(needs_layout_passes=False),
    scratch_types=[
        pltpu.VMEM((K,), jnp.int32), pltpu.VMEM((K,), jnp.int32),
        pltpu.VMEM((K,), jnp.int32),
        pltpu.VMEM((K,), jnp.int32), pltpu.VMEM((K,), jnp.int32),
        pltpu.VMEM((K,), jnp.int32),
        pltpu.VMEM((K, D), jnp.float32), pltpu.VMEM((K, D), jnp.float32),
        pltpu.VMEM((K, D), jnp.float32),
        pltpu.VMEM((ACC_N,), jnp.float32),
        pltpu.VMEM_SHARED((ACC_N, D), jnp.float32),
        pltpu.SemaphoreType.DMA, pltpu.SemaphoreType.DMA,
        pltpu.SemaphoreType.DMA, pltpu.SemaphoreType.DMA,
        pltpu.SemaphoreType.DMA, pltpu.SemaphoreType.DMA,
        pltpu.SemaphoreType.DMA, pltpu.SemaphoreType.DMA,
        pltpu.SemaphoreType.DMA, pltpu.SemaphoreType.DMA,
    ],
)(_sc_body)


def _tc_pre_body(x_ref, bl_ref, wr_ref, o_ref):
    o_ref[...] = lax.dot_general(
        x_ref[...], wr_ref[...], (((1,), (1,)), ((), ())),
        preferred_element_type=jnp.float32) + bl_ref[...]


_tc_pre = pl.pallas_call(
    _tc_pre_body,
    out_shape=jax.ShapeDtypeStruct((N_NODES, D), jnp.float32),
)


def _tc_body(part_ref, cnt_ref, x_ref, xr_ref, wl_ref, o_ref):
    p = part_ref[0] + part_ref[1]
    gsum = p[:N_NODES]
    cnt8 = jnp.sum(cnt_ref[...], axis=0)
    rsel = (lax.broadcasted_iota(jnp.int32, (ACC_N, CH), 0) >> 7
            == lax.broadcasted_iota(jnp.int32, (ACC_N, CH), 1))
    lsel = ((lax.broadcasted_iota(jnp.int32, (ACC_N, D), 0) & (D - 1))
            == lax.broadcasted_iota(jnp.int32, (ACC_N, D), 1))
    cnt_rows = lax.dot_general(rsel.astype(jnp.float32), cnt8,
                               (((1,), (0,)), ((), ())),
                               preferred_element_type=jnp.float32)
    cnt = jnp.sum(cnt_rows * lsel.astype(jnp.float32), axis=1,
                  keepdims=True)[:N_NODES]
    xb = x_ref[...]
    agg = gsum / jnp.maximum(cnt, 1.0) - xb * (cnt > 0.0).astype(jnp.float32)
    o_ref[...] = (
        lax.dot_general(agg, wl_ref[...], (((1,), (1,)), ((), ())),
                        preferred_element_type=jnp.float32)
        + xr_ref[...]
    )


_tc_finish = pl.pallas_call(
    _tc_body,
    out_shape=jax.ShapeDtypeStruct((N_NODES, D), jnp.float32),
)


def kernel(x, edge_index, W_l, b_l, W_r):
    er = edge_index.reshape(-1)
    part, cnts = _sc_gather_scatter(x, er)
    xr = _tc_pre(x, b_l.reshape(1, D), W_r)
    return _tc_finish(part, cnts.reshape(NW, CH, D), x, xr, W_l)

# --- scband reference (transcript-rebuilt; emitter-appended) ---
"""Pipeline reference for scband-diff-sagewrapper-41051297415238 (READ-ONLY COPY).

The authoritative reference and input builder live on the scoring server;
editing this copy changes nothing except your own understanding.
"""

import jax, jax.numpy as jnp
import numpy as np

N_NODES = 10000
N_EDGES = 320000
D_IN = 128
D_OUT = 128


def setup_inputs(seed: int = 0) -> dict:
    key = jax.random.key(seed)
    k1, k2, k3, k4, k5 = jax.random.split(key, 5)
    x = jax.random.normal(k1, (N_NODES, D_IN), dtype=jnp.float32)
    edge_index = jax.random.randint(k2, (2, N_EDGES), 0, N_NODES, dtype=jnp.int32)
    # learned parameters (PyG Linear: y = x @ W.T + b)
    W_l = jax.random.normal(k3, (D_OUT, D_IN), dtype=jnp.float32) * (1.0 / np.sqrt(D_IN))
    b_l = jnp.zeros((D_OUT,), dtype=jnp.float32)
    W_r = jax.random.normal(k4, (D_OUT, D_IN), dtype=jnp.float32) * (1.0 / np.sqrt(D_IN))
    return {"x": x, "edge_index": edge_index, "W_l": W_l, "b_l": b_l, "W_r": W_r}


def reference(x, edge_index, W_l, b_l, W_r):
    # PyG convention (flow='source_to_target'):
    #   x_j = x[edge_index[0]] (source / neighbor), x_i = x[edge_index[1]] (target)
    #   messages aggregated at destination index edge_index[1]
    src = edge_index[0]
    dst = edge_index[1]
    msg = x[src] - x[dst]  # message(x_i, x_j) = x_j - x_i (transform is None)
    summed = jax.ops.segment_sum(msg, dst, num_segments=N_NODES)
    counts = jax.ops.segment_sum(jnp.ones((msg.shape[0],), dtype=x.dtype), dst, num_segments=N_NODES)
    agg = summed / jnp.clip(counts, 1.0)[:, None]  # mean aggregation
    out = agg @ W_l.T + b_l + x @ W_r.T  # lin_l(agg) + lin_r(x); normalize=False
    return out

if __name__ == "__main__":
    import jax
    _d = setup_inputs()
    print(jax.jit(kernel)(*tuple(_d.values())))

</pallas_src>

<mosaic_0001>
#map = affine_map<(d0, d1) -> (0, 0)>
#map1 = affine_map<(d0, d1) -> (0)>
#map2 = affine_map<(d0, d1) -> (0, 0, 0)>
module attributes {stable_mosaic.version = 14 : i64} {
  func.func @_sc_body(%arg0: i32, %arg1: i32, %arg2: memref<10000x128xf32, #tpu.memory_space<hbm>>, %arg3: memref<640000xi32, #tpu.memory_space<hbm>>, %arg4: memref<2x10240x128xf32, #tpu.memory_space<hbm>>, %arg5: memref<327680xf32, #tpu.memory_space<hbm>>, %arg6: memref<80xi32, #tpu.memory_space<vmem>>, %arg7: memref<80xi32, #tpu.memory_space<vmem>>, %arg8: memref<80xi32, #tpu.memory_space<vmem>>, %arg9: memref<80xi32, #tpu.memory_space<vmem>>, %arg10: memref<80xi32, #tpu.memory_space<vmem>>, %arg11: memref<80xi32, #tpu.memory_space<vmem>>, %arg12: memref<80x128xf32, #tpu.memory_space<vmem>>, %arg13: memref<80x128xf32, #tpu.memory_space<vmem>>, %arg14: memref<80x128xf32, #tpu.memory_space<vmem>>, %arg15: memref<10240xf32, #tpu.memory_space<vmem>>, %arg16: memref<10240x128xf32, #tpu.memory_space<vmem_shared>>, %arg17: memref<!tpu.dma_semaphore, #tpu.memory_space<semaphore_mem>>, %arg18: memref<!tpu.dma_semaphore, #tpu.memory_space<semaphore_mem>>, %arg19: memref<!tpu.dma_semaphore, #tpu.memory_space<semaphore_mem>>, %arg20: memref<!tpu.dma_semaphore, #tpu.memory_space<semaphore_mem>>, %arg21: memref<!tpu.dma_semaphore, #tpu.memory_space<semaphore_mem>>, %arg22: memref<!tpu.dma_semaphore, #tpu.memory_space<semaphore_mem>>, %arg23: memref<!tpu.dma_semaphore, #tpu.memory_space<semaphore_mem>>, %arg24: memref<!tpu.dma_semaphore, #tpu.memory_space<semaphore_mem>>, %arg25: memref<!tpu.dma_semaphore, #tpu.memory_space<semaphore_mem>>, %arg26: memref<!tpu.dma_semaphore, #tpu.memory_space<semaphore_mem>>) attributes {dimension_semantics = [#tpu.dimension_semantics<core_parallel>, #tpu.dimension_semantics<subcore_parallel>], iteration_bounds = array<i64: 2, 16>, scalar_prefetch = 0 : i64, scratch_operands = 21 : i64, tpu.core_type = #tpu.core_type<sc_vector_subcore>, window_params = [{transform_indices = #map}, {transform_indices = #map1}, {transform_indices = #map2}, {transform_indices = #map1}]} {
    %mul3A = arith.constant 16 : i32
    %mul3A_0 = arith.muli %arg0, %mul3A : i32
    %add3A = arith.addi %mul3A_0, %arg1 : i32
    %broadcast_in_dim3A = arith.constant 0.000000e+00 : f32
    %broadcast_in_dim3A_1 = vector.broadcast %broadcast_in_dim3A : f32 to vector<16xf32>
    %broadcast_in_dim3A_2 = arith.constant 1.000000e+00 : f32
    %broadcast_in_dim3A_3 = vector.broadcast %broadcast_in_dim3A_2 : f32 to vector<16xf32>
    %scan3A = arith.constant 0 : i32
    %scan3A_4 = arith.constant 0 : i32
    %scan3A_5 = arith.constant 640 : i32
    %scan3A_6 = arith.addi %scan3A_4, %scan3A_5 : i32
    %scan3A_7 = arith.constant 1 : i32
    scf.for %scan3A_408 = %scan3A_4 to %scan3A_6 step %scan3A_7  : i32 {
      %mul3A_409 = arith.constant 16 : i32
      %mul3A_410 = arith.muli %scan3A_408, %mul3A_409 : i32
      %swap3A = arith.index_cast %mul3A_410 : i32 to index
      %swap3A_411 = tpu.vector_load %arg15[%swap3A] {strides = array<i32>} : memref<10240xf32, #tpu.memory_space<vmem>>, vector<16xf32>,
      tpu.vector_store %arg15[%swap3A], %broadcast_in_dim3A_1 {strides = array<i32>} : memref<10240xf32, #tpu.memory_space<vmem>>, vector<16xf32>,
    }
    %scan3A_8 = arith.constant 640 : i32
    %scan3A_9 = arith.constant 0 : i32
    %scan3A_10 = arith.constant 0 : i32
    %scan3A_11 = arith.constant 80 : i32
    %scan3A_12 = arith.addi %scan3A_10, %scan3A_11 : i32
    %scan3A_13 = arith.constant 1 : i32
    scf.for %scan3A_408 = %scan3A_10 to %scan3A_12 step %scan3A_13  : i32 {
      %swap3A = arith.index_cast %scan3A_408 : i32 to index
      %swap3A_409 = arith.constant 0 : index
      %swap3A_410 = tpu.vector_load %arg12[%swap3A, %swap3A_409] {strides = array<i32>} : memref<80x128xf32, #tpu.memory_space<vmem>>, vector<16xf32>,
      tpu.vector_store %arg12[%swap3A, %swap3A_409], %broadcast_in_dim3A_1 {strides = array<i32>} : memref<80x128xf32, #tpu.memory_space<vmem>>, vector<16xf32>,
      %swap3A_411 = arith.index_cast %scan3A_408 : i32 to index
      %swap3A_412 = arith.constant 16 : index
      %swap3A_413 = tpu.vector_load %arg12[%swap3A_411, %swap3A_412] {strides = array<i32>} : memref<80x128xf32, #tpu.memory_space<vmem>>, vector<16xf32>,
      tpu.vector_store %arg12[%swap3A_411, %swap3A_412], %broadcast_in_dim3A_1 {strides = array<i32>} : memref<80x128xf32, #tpu.memory_space<vmem>>, vector<16xf32>,
      %swap3A_414 = arith.index_cast %scan3A_408 : i32 to index
      %swap3A_415 = arith.constant 32 : index
      %swap3A_416 = tpu.vector_load %arg12[%swap3A_414, %swap3A_415] {strides = array<i32>} : memref<80x128xf32, #tpu.memory_space<vmem>>, vector<16xf32>,
      tpu.vector_store %arg12[%swap3A_414, %swap3A_415], %broadcast_in_dim3A_1 {strides = array<i32>} : memref<80x128xf32, #tpu.memory_space<vmem>>, vector<16xf32>,
      %swap3A_417 = arith.index_cast %scan3A_408 : i32 to index
      %swap3A_418 = arith.constant 48 : index
      %swap3A_419 = tpu.vector_load %arg12[%swap3A_417, %swap3A_418] {strides = array<i32>} : memref<80x128xf32, #tpu.memory_space<vmem>>, vector<16xf32>,
      tpu.vector_store %arg12[%swap3A_417, %swap3A_418], %broadcast_in_dim3A_1 {strides = array<i32>} : memref<80x128xf32, #tpu.memory_space<vmem>>, vector<16xf32>,
      %swap3A_420 = arith.index_cast %scan3A_408 : i32 to index
      %swap3A_421 = arith.constant 64 : index
      %swap3A_422 = tpu.vector_load %arg12[%swap3A_420, %swap3A_421] {strides = array<i32>} : memref<80x128xf32, #tpu.memory_space<vmem>>, vector<16xf32>,
      tpu.vector_store %arg12[%swap3A_420, %swap3A_421], %broadcast_in_dim3A_1 {strides = array<i32>} : memref<80x128xf32, #tpu.memory_space<vmem>>, vector<16xf32>,
      %swap3A_423 = arith.index_cast %scan3A_408 : i32 to index
      %swap3A_424 = arith.constant 80 : index
      %swap3A_425 = tpu.vector_load %arg12[%swap3A_423, %swap3A_424] {strides = array<i32>} : memref<80x128xf32, #tpu.memory_space<vmem>>, vector<16xf32>,
      tpu.vector_store %arg12[%swap3A_423, %swap3A_424], %broadcast_in_dim3A_1 {strides = array<i32>} : memref<80x128xf32, #tpu.memory_space<vmem>>, vector<16xf32>,
      %swap3A_426 = arith.index_cast %scan3A_408 : i32 to index
      %swap3A_427 = arith.constant 96 : index
      %swap3A_428 = tpu.vector_load %arg12[%swap3A_426, %swap3A_427] {strides = array<i32>} : memref<80x128xf32, #tpu.memory_space<vmem>>, vector<16xf32>,
      tpu.vector_store %arg12[%swap3A_426, %swap3A_427], %broadcast_in_dim3A_1 {strides = array<i32>} : memref<80x128xf32, #tpu.memory_space<vmem>>, vector<16xf32>,
      %swap3A_429 = arith.index_cast %scan3A_408 : i32 to index
      %swap3A_430 = arith.constant 112 : index
      %swap3A_431 = tpu.vector_load %arg12[%swap3A_429, %swap3A_430] {strides = array<i32>} : memref<80x128xf32, #tpu.memory_space<vmem>>, vector<16xf32>,
      tpu.vector_store %arg12[%swap3A_429, %swap3A_430], %broadcast_in_dim3A_1 {strides = array<i32>} : memref<80x128xf32, #tpu.memory_space<vmem>>, vector<16xf32>,
    }
    %scan3A_14 = arith.constant 80 : i32
    %mul3A_15 = arith.constant 640 : i32
    %mul3A_16 = arith.muli %arg1, %mul3A_15 : i32
    %add3A_17 = arith.constant 0 : i32
    %add3A_18 = arith.addi %mul3A_16, %add3A_17 : i32
    %dma_start3A = arith.constant 0 : i32
    %dma_start3A_19 = tpu.memref_slice %arg16[%add3A_18, %dma_start3A] : memref<10240x128xf32, #tpu.memory_space<vmem_shared>> -> memref<80x128xf32, #tpu.memory_space<vmem_shared>>
    %dma_start3A_20 = arith.constant 0 : i32
    %dma_start3A_21 = tpu.memref_slice %arg16[%add3A_18, %dma_start3A_20] : memref<10240x128xf32, #tpu.memory_space<vmem_shared>> -> memref<80x128xf32, #tpu.memory_space<vmem_shared>>
    tpu.enqueue_dma source(%arg12 : memref<80x128xf32, #tpu.memory_space<vmem>>) target(%dma_start3A_21 : memref<80x128xf32, #tpu.memory_space<vmem_shared>>) target_semaphore(%arg21 : memref<!tpu.dma_semaphore, #tpu.memory_space<semaphore_mem>>)
    %mul3A_22 = arith.constant 640 : i32
    %mul3A_23 = arith.muli %arg1, %mul3A_22 : i32
    %add3A_24 = arith.constant 80 : i32
    %add3A_25 = arith.addi %mul3A_23, %add3A_24 : i32
    %dma_start3A_26 = arith.constant 0 : i32
    %dma_start3A_27 = tpu.memref_slice %arg16[%add3A_25, %dma_start3A_26] : memref<10240x128xf32, #tpu.memory_space<vmem_shared>> -> memref<80x128xf32, #tpu.memory_space<vmem_shared>>
    %dma_start3A_28 = arith.constant 0 : i32
    %dma_start3A_29 = tpu.memref_slice %arg16[%add3A_25, %dma_start3A_28] : memref<10240x128xf32, #tpu.memory_space<vmem_shared>> -> memref<80x128xf32, #tpu.memory_space<vmem_shared>>
    tpu.enqueue_dma source(%arg12 : memref<80x128xf32, #tpu.memory_space<vmem>>) target(%dma_start3A_29 : memref<80x128xf32, #tpu.memory_space<vmem_shared>>) target_semaphore(%arg21 : memref<!tpu.dma_semaphore, #tpu.memory_space<semaphore_mem>>)
    %mul3A_30 = arith.constant 640 : i32
    %mul3A_31 = arith.muli %arg1, %mul3A_30 : i32
    %add3A_32 = arith.constant 160 : i32
    %add3A_33 = arith.addi %mul3A_31, %add3A_32 : i32
    %dma_start3A_34 = arith.constant 0 : i32
    %dma_start3A_35 = tpu.memref_slice %arg16[%add3A_33, %dma_start3A_34] : memref<10240x128xf32, #tpu.memory_space<vmem_shared>> -> memref<80x128xf32, #tpu.memory_space<vmem_shared>>
    %dma_start3A_36 = arith.constant 0 : i32
    %dma_start3A_37 = tpu.memref_slice %arg16[%add3A_33, %dma_start3A_36] : memref<10240x128xf32, #tpu.memory_space<vmem_shared>> -> memref<80x128xf32, #tpu.memory_space<vmem_shared>>
    tpu.enqueue_dma source(%arg12 : memref<80x128xf32, #tpu.memory_space<vmem>>) target(%dma_start3A_37 : memref<80x128xf32, #tpu.memory_space<vmem_shared>>) target_semaphore(%arg21 : memref<!tpu.dma_semaphore, #tpu.memory_space<semaphore_mem>>)
    %mul3A_38 = arith.constant 640 : i32
    %mul3A_39 = arith.muli %arg1, %mul3A_38 : i32
    %add3A_40 = arith.constant 240 : i32
    %add3A_41 = arith.addi %mul3A_39, %add3A_40 : i32
    %dma_start3A_42 = arith.constant 0 : i32
    %dma_start3A_43 = tpu.memref_slice %arg16[%add3A_41, %dma_start3A_42] : memref<10240x128xf32, #tpu.memory_space<vmem_shared>> -> memref<80x128xf32, #tpu.memory_space<vmem_shared>>
    %dma_start3A_44 = arith.constant 0 : i32
    %dma_start3A_45 = tpu.memref_slice %arg16[%add3A_41, %dma_start3A_44] : memref<10240x128xf32, #tpu.memory_space<vmem_shared>> -> memref<80x128xf32, #tpu.memory_space<vmem_shared>>
    tpu.enqueue_dma source(%arg12 : memref<80x128xf32, #tpu.memory_space<vmem>>) target(%dma_start3A_45 : memref<80x128xf32, #tpu.memory_space<vmem_shared>>) target_semaphore(%arg21 : memref<!tpu.dma_semaphore, #tpu.memory_space<semaphore_mem>>)
    %mul3A_46 = arith.constant 640 : i32
    %mul3A_47 = arith.muli %arg1, %mul3A_46 : i32
    %add3A_48 = arith.constant 320 : i32
    %add3A_49 = arith.addi %mul3A_47, %add3A_48 : i32
    %dma_start3A_50 = arith.constant 0 : i32
    %dma_start3A_51 = tpu.memref_slice %arg16[%add3A_49, %dma_start3A_50] : memref<10240x128xf32, #tpu.memory_space<vmem_shared>> -> memref<80x128xf32, #tpu.memory_space<vmem_shared>>
    %dma_start3A_52 = arith.constant 0 : i32
    %dma_start3A_53 = tpu.memref_slice %arg16[%add3A_49, %dma_start3A_52] : memref<10240x128xf32, #tpu.memory_space<vmem_shared>> -> memref<80x128xf32, #tpu.memory_space<vmem_shared>>
    tpu.enqueue_dma source(%arg12 : memref<80x128xf32, #tpu.memory_space<vmem>>) target(%dma_start3A_53 : memref<80x128xf32, #tpu.memory_space<vmem_shared>>) target_semaphore(%arg21 : memref<!tpu.dma_semaphore, #tpu.memory_space<semaphore_mem>>)
    %mul3A_54 = arith.constant 640 : i32
    %mul3A_55 = arith.muli %arg1, %mul3A_54 : i32
    %add3A_56 = arith.constant 400 : i32
    %add3A_57 = arith.addi %mul3A_55, %add3A_56 : i32
    %dma_start3A_58 = arith.constant 0 : i32
    %dma_start3A_59 = tpu.memref_slice %arg16[%add3A_57, %dma_start3A_58] : memref<10240x128xf32, #tpu.memory_space<vmem_shared>> -> memref<80x128xf32, #tpu.memory_space<vmem_shared>>
    %dma_start3A_60 = arith.constant 0 : i32
    %dma_start3A_61 = tpu.memref_slice %arg16[%add3A_57, %dma_start3A_60] : memref<10240x128xf32, #tpu.memory_space<vmem_shared>> -> memref<80x128xf32, #tpu.memory_space<vmem_shared>>
    tpu.enqueue_dma source(%arg12 : memref<80x128xf32, #tpu.memory_space<vmem>>) target(%dma_start3A_61 : memref<80x128xf32, #tpu.memory_space<vmem_shared>>) target_semaphore(%arg21 : memref<!tpu.dma_semaphore, #tpu.memory_space<semaphore_mem>>)
    %mul3A_62 = arith.constant 640 : i32
    %mul3A_63 = arith.muli %arg1, %mul3A_62 : i32
    %add3A_64 = arith.constant 480 : i32
    %add3A_65 = arith.addi %mul3A_63, %add3A_64 : i32
    %dma_start3A_66 = arith.constant 0 : i32
    %dma_start3A_67 = tpu.memref_slice %arg16[%add3A_65, %dma_start3A_66] : memref<10240x128xf32, #tpu.memory_space<vmem_shared>> -> memref<80x128xf32, #tpu.memory_space<vmem_shared>>
    %dma_start3A_68 = arith.constant 0 : i32
    %dma_start3A_69 = tpu.memref_slice %arg16[%add3A_65, %dma_start3A_68] : memref<10240x128xf32, #tpu.memory_space<vmem_shared>> -> memref<80x128xf32, #tpu.memory_space<vmem_shared>>
    tpu.enqueue_dma source(%arg12 : memref<80x128xf32, #tpu.memory_space<vmem>>) target(%dma_start3A_69 : memref<80x128xf32, #tpu.memory_space<vmem_shared>>) target_semaphore(%arg21 : memref<!tpu.dma_semaphore, #tpu.memory_space<semaphore_mem>>)
    %mul3A_70 = arith.constant 640 : i32
    %mul3A_71 = arith.muli %arg1, %mul3A_70 : i32
    %add3A_72 = arith.constant 560 : i32
    %add3A_73 = arith.addi %mul3A_71, %add3A_72 : i32
    %dma_start3A_74 = arith.constant 0 : i32
    %dma_start3A_75 = tpu.memref_slice %arg16[%add3A_73, %dma_start3A_74] : memref<10240x128xf32, #tpu.memory_space<vmem_shared>> -> memref<80x128xf32, #tpu.memory_space<vmem_shared>>
    %dma_start3A_76 = arith.constant 0 : i32
    %dma_start3A_77 = tpu.memref_slice %arg16[%add3A_73, %dma_start3A_76] : memref<10240x128xf32, #tpu.memory_space<vmem_shared>> -> memref<80x128xf32, #tpu.memory_space<vmem_shared>>
    tpu.enqueue_dma source(%arg12 : memref<80x128xf32, #tpu.memory_space<vmem>>) target(%dma_start3A_77 : memref<80x128xf32, #tpu.memory_space<vmem_shared>>) target_semaphore(%arg21 : memref<!tpu.dma_semaphore, #tpu.memory_space<semaphore_mem>>)
    %mul3A_78 = arith.constant 640 : i32
    %mul3A_79 = arith.muli %arg1, %mul3A_78 : i32
    %add3A_80 = arith.constant 0 : i32
    %add3A_81 = arith.addi %mul3A_79, %add3A_80 : i32
    %dma_wait3A = arith.constant 0 : i32
    %dma_wait3A_82 = tpu.memref_slice %arg16[%add3A_81, %dma_wait3A] : memref<10240x128xf32, #tpu.memory_space<vmem_shared>> -> memref<80x128xf32, #tpu.memory_space<vmem_shared>>
    %dma_wait3A_83 = arith.constant 0 : i32
    %dma_wait3A_84 = tpu.memref_slice %arg16[%add3A_81, %dma_wait3A_83] : memref<10240x128xf32, #tpu.memory_space<vmem_shared>> -> memref<80x128xf32, #tpu.memory_space<vmem_shared>>
    tpu.wait_dma2 semaphore(%arg21 : memref<!tpu.dma_semaphore, #tpu.memory_space<semaphore_mem>>) src(%arg12 : memref<80x128xf32, #tpu.memory_space<vmem>>) dst(%dma_wait3A_84 : memref<80x128xf32, #tpu.memory_space<vmem_shared>>)
    %mul3A_85 = arith.constant 640 : i32
    %mul3A_86 = arith.muli %arg1, %mul3A_85 : i32
    %add3A_87 = arith.constant 80 : i32
    %add3A_88 = arith.addi %mul3A_86, %add3A_87 : i32
    %dma_wait3A_89 = arith.constant 0 : i32
    %dma_wait3A_90 = tpu.memref_slice %arg16[%add3A_88, %dma_wait3A_89] : memref<10240x128xf32, #tpu.memory_space<vmem_shared>> -> memref<80x128xf32, #tpu.memory_space<vmem_shared>>
    %dma_wait3A_91 = arith.constant 0 : i32
    %dma_wait3A_92 = tpu.memref_slice %arg16[%add3A_88, %dma_wait3A_91] : memref<10240x128xf32, #tpu.memory_space<vmem_shared>> -> memref<80x128xf32, #tpu.memory_space<vmem_shared>>
    tpu.wait_dma2 semaphore(%arg21 : memref<!tpu.dma_semaphore, #tpu.memory_space<semaphore_mem>>) src(%arg12 : memref<80x128xf32, #tpu.memory_space<vmem>>) dst(%dma_wait3A_92 : memref<80x128xf32, #tpu.memory_space<vmem_shared>>)
    %mul3A_93 = arith.constant 640 : i32
    %mul3A_94 = arith.muli %arg1, %mul3A_93 : i32
    %add3A_95 = arith.constant 160 : i32
    %add3A_96 = arith.addi %mul3A_94, %add3A_95 : i32
    %dma_wait3A_97 = arith.constant 0 : i32
    %dma_wait3A_98 = tpu.memref_slice %arg16[%add3A_96, %dma_wait3A_97] : memref<10240x128xf32, #tpu.memory_space<vmem_shared>> -> memref<80x128xf32, #tpu.memory_space<vmem_shared>>
    %dma_wait3A_99 = arith.constant 0 : i32
    %dma_wait3A_100 = tpu.memref_slice %arg16[%add3A_96, %dma_wait3A_99] : memref<10240x128xf32, #tpu.memory_space<vmem_shared>> -> memref<80x128xf32, #tpu.memory_space<vmem_shared>>
    tpu.wait_dma2 semaphore(%arg21 : memref<!tpu.dma_semaphore, #tpu.memory_space<semaphore_mem>>) src(%arg12 : memref<80x128xf32, #tpu.memory_space<vmem>>) dst(%dma_wait3A_100 : memref<80x128xf32, #tpu.memory_space<vmem_shared>>)
    %mul3A_101 = arith.constant 640 : i32
    %mul3A_102 = arith.muli %arg1, %mul3A_101 : i32
    %add3A_103 = arith.constant 240 : i32
    %add3A_104 = arith.addi %mul3A_102, %add3A_103 : i32
    %dma_wait3A_105 = arith.constant 0 : i32
    %dma_wait3A_106 = tpu.memref_slice %arg16[%add3A_104, %dma_wait3A_105] : memref<10240x128xf32, #tpu.memory_space<vmem_shared>> -> memref<80x128xf32, #tpu.memory_space<vmem_shared>>
    %dma_wait3A_107 = arith.constant 0 : i32
    %dma_wait3A_108 = tpu.memref_slice %arg16[%add3A_104, %dma_wait3A_107] : memref<10240x128xf32, #tpu.memory_space<vmem_shared>> -> memref<80x128xf32, #tpu.memory_space<vmem_shared>>
    tpu.wait_dma2 semaphore(%arg21 : memref<!tpu.dma_semaphore, #tpu.memory_space<semaphore_mem>>) src(%arg12 : memref<80x128xf32, #tpu.memory_space<vmem>>) dst(%dma_wait3A_108 : memref<80x128xf32, #tpu.memory_space<vmem_shared>>)
    %mul3A_109 = arith.constant 640 : i32
    %mul3A_110 = arith.muli %arg1, %mul3A_109 : i32
    %add3A_111 = arith.constant 320 : i32
    %add3A_112 = arith.addi %mul3A_110, %add3A_111 : i32
    %dma_wait3A_113 = arith.constant 0 : i32
    %dma_wait3A_114 = tpu.memref_slice %arg16[%add3A_112, %dma_wait3A_113] : memref<10240x128xf32, #tpu.memory_space<vmem_shared>> -> memref<80x128xf32, #tpu.memory_space<vmem_shared>>
    %dma_wait3A_115 = arith.constant 0 : i32
    %dma_wait3A_116 = tpu.memref_slice %arg16[%add3A_112, %dma_wait3A_115] : memref<10240x128xf32, #tpu.memory_space<vmem_shared>> -> memref<80x128xf32, #tpu.memory_space<vmem_shared>>
    tpu.wait_dma2 semaphore(%arg21 : memref<!tpu.dma_semaphore, #tpu.memory_space<semaphore_mem>>) src(%arg12 : memref<80x128xf32, #tpu.memory_space<vmem>>) dst(%dma_wait3A_116 : memref<80x128xf32, #tpu.memory_space<vmem_shared>>)
    %mul3A_117 = arith.constant 640 : i32
    %mul3A_118 = arith.muli %arg1, %mul3A_117 : i32
    %add3A_119 = arith.constant 400 : i32
    %add3A_120 = arith.addi %mul3A_118, %add3A_119 : i32
    %dma_wait3A_121 = arith.constant 0 : i32
    %dma_wait3A_122 = tpu.memref_slice %arg16[%add3A_120, %dma_wait3A_121] : memref<10240x128xf32, #tpu.memory_space<vmem_shared>> -> memref<80x128xf32, #tpu.memory_space<vmem_shared>>
    %dma_wait3A_123 = arith.constant 0 : i32
    %dma_wait3A_124 = tpu.memref_slice %arg16[%add3A_120, %dma_wait3A_123] : memref<10240x128xf32, #tpu.memory_space<vmem_shared>> -> memref<80x128xf32, #tpu.memory_space<vmem_shared>>
    tpu.wait_dma2 semaphore(%arg21 : memref<!tpu.dma_semaphore, #tpu.memory_space<semaphore_mem>>) src(%arg12 : memref<80x128xf32, #tpu.memory_space<vmem>>) dst(%dma_wait3A_124 : memref<80x128xf32, #tpu.memory_space<vmem_shared>>)
    %mul3A_125 = arith.constant 640 : i32
    %mul3A_126 = arith.muli %arg1, %mul3A_125 : i32
    %add3A_127 = arith.constant 480 : i32
    %add3A_128 = arith.addi %mul3A_126, %add3A_127 : i32
    %dma_wait3A_129 = arith.constant 0 : i32
    %dma_wait3A_130 = tpu.memref_slice %arg16[%add3A_128, %dma_wait3A_129] : memref<10240x128xf32, #tpu.memory_space<vmem_shared>> -> memref<80x128xf32, #tpu.memory_space<vmem_shared>>
    %dma_wait3A_131 = arith.constant 0 : i32
    %dma_wait3A_132 = tpu.memref_slice %arg16[%add3A_128, %dma_wait3A_131] : memref<10240x128xf32, #tpu.memory_space<vmem_shared>> -> memref<80x128xf32, #tpu.memory_space<vmem_shared>>
    tpu.wait_dma2 semaphore(%arg21 : memref<!tpu.dma_semaphore, #tpu.memory_space<semaphore_mem>>) src(%arg12 : memref<80x128xf32, #tpu.memory_space<vmem>>) dst(%dma_wait3A_132 : memref<80x128xf32, #tpu.memory_space<vmem_shared>>)
    %mul3A_133 = arith.constant 640 : i32
    %mul3A_134 = arith.muli %arg1, %mul3A_133 : i32
    %add3A_135 = arith.constant 560 : i32
    %add3A_136 = arith.addi %mul3A_134, %add3A_135 : i32
    %dma_wait3A_137 = arith.constant 0 : i32
    %dma_wait3A_138 = tpu.memref_slice %arg16[%add3A_136, %dma_wait3A_137] : memref<10240x128xf32, #tpu.memory_space<vmem_shared>> -> memref<80x128xf32, #tpu.memory_space<vmem_shared>>
    %dma_wait3A_139 = arith.constant 0 : i32
    %dma_wait3A_140 = tpu.memref_slice %arg16[%add3A_136, %dma_wait3A_139] : memref<10240x128xf32, #tpu.memory_space<vmem_shared>> -> memref<80x128xf32, #tpu.memory_space<vmem_shared>>
    tpu.wait_dma2 semaphore(%arg21 : memref<!tpu.dma_semaphore, #tpu.memory_space<semaphore_mem>>) src(%arg12 : memref<80x128xf32, #tpu.memory_space<vmem>>) dst(%dma_wait3A_140 : memref<80x128xf32, #tpu.memory_space<vmem_shared>>)
    %barrier3A = arith.constant 0 : index
    tpu.barrier barrier_id(%barrier3A)
    %mul3A_141 = arith.constant 10000 : i32
    %mul3A_142 = arith.muli %add3A, %mul3A_141 : i32
    %add3A_143 = arith.constant 0 : i32
    %add3A_144 = arith.addi %mul3A_142, %add3A_143 : i32
    %dma_start3A_145 = tpu.memref_slice %arg3[%add3A_144] : memref<640000xi32, #tpu.memory_space<hbm>> -> memref<80xi32, #tpu.memory_space<hbm>>
    %dma_start3A_146 = tpu.memref_slice %arg3[%add3A_144] : memref<640000xi32, #tpu.memory_space<hbm>> -> memref<80xi32, #tpu.memory_space<hbm>>
    tpu.enqueue_dma source(%dma_start3A_146 : memref<80xi32, #tpu.memory_space<hbm>>) target(%arg6 : memref<80xi32, #tpu.memory_space<vmem>>) target_semaphore(%arg21 : memref<!tpu.dma_semaphore, #tpu.memory_space<semaphore_mem>>)
    %mul3A_147 = arith.constant 10000 : i32
    %mul3A_148 = arith.muli %add3A, %mul3A_147 : i32
    %add3A_149 = arith.constant 80 : i32
    %add3A_150 = arith.addi %mul3A_148, %add3A_149 : i32
    %dma_start3A_151 = tpu.memref_slice %arg3[%add3A_150] : memref<640000xi32, #tpu.memory_space<hbm>> -> memref<80xi32, #tpu.memory_space<hbm>>
    %dma_start3A_152 = tpu.memref_slice %arg3[%add3A_150] : memref<640000xi32, #tpu.memory_space<hbm>> -> memref<80xi32, #tpu.memory_space<hbm>>
    tpu.enqueue_dma source(%dma_start3A_152 : memref<80xi32, #tpu.memory_space<hbm>>) target(%arg7 : memref<80xi32, #tpu.memory_space<vmem>>) target_semaphore(%arg22 : memref<!tpu.dma_semaphore, #tpu.memory_space<semaphore_mem>>)
    %mul3A_153 = arith.constant 10000 : i32
    %mul3A_154 = arith.muli %add3A, %mul3A_153 : i32
    %add3A_155 = arith.constant 160 : i32
    %add3A_156 = arith.addi %mul3A_154, %add3A_155 : i32
    %dma_start3A_157 = tpu.memref_slice %arg3[%add3A_156] : memref<640000xi32, #tpu.memory_space<hbm>> -> memref<80xi32, #tpu.memory_space<hbm>>
    %dma_start3A_158 = tpu.memref_slice %arg3[%add3A_156] : memref<640000xi32, #tpu.memory_space<hbm>> -> memref<80xi32, #tpu.memory_space<hbm>>
    tpu.enqueue_dma source(%dma_start3A_158 : memref<80xi32, #tpu.memory_space<hbm>>) target(%arg8 : memref<80xi32, #tpu.memory_space<vmem>>) target_semaphore(%arg23 : memref<!tpu.dma_semaphore, #tpu.memory_space<semaphore_mem>>)
    %add3A_159 = arith.constant 32 : i32
    %add3A_160 = arith.addi %add3A_159, %add3A : i32
    %mul3A_161 = arith.constant 10000 : i32
    %mul3A_162 = arith.muli %add3A_160, %mul3A_161 : i32
    %add3A_163 = arith.constant 0 : i32
    %add3A_164 = arith.addi %mul3A_162, %add3A_163 : i32
    %dma_start3A_165 = tpu.memref_slice %arg3[%add3A_164] : memref<640000xi32, #tpu.memory_space<hbm>> -> memref<80xi32, #tpu.memory_space<hbm>>
    %dma_start3A_166 = tpu.memref_slice %arg3[%add3A_164] : memref<640000xi32, #tpu.memory_space<hbm>> -> memref<80xi32, #tpu.memory_space<hbm>>
    tpu.enqueue_dma source(%dma_start3A_166 : memref<80xi32, #tpu.memory_space<hbm>>) target(%arg9 : memref<80xi32, #tpu.memory_space<vmem>>) target_semaphore(%arg24 : memref<!tpu.dma_semaphore, #tpu.memory_space<semaphore_mem>>)
    %add3A_167 = arith.constant 32 : i32
    %add3A_168 = arith.addi %add3A_167, %add3A : i32
    %mul3A_169 = arith.constant 10000 : i32
    %mul3A_170 = arith.muli %add3A_168, %mul3A_169 : i32
    %add3A_171 = arith.constant 80 : i32
    %add3A_172 = arith.addi %mul3A_170, %add3A_171 : i32
    %dma_start3A_173 = tpu.memref_slice %arg3[%add3A_172] : memref<640000xi32, #tpu.memory_space<hbm>> -> memref<80xi32, #tpu.memory_space<hbm>>
    %dma_start3A_174 = tpu.memref_slice %arg3[%add3A_172] : memref<640000xi32, #tpu.memory_space<hbm>> -> memref<80xi32, #tpu.memory_space<hbm>>
    tpu.enqueue_dma source(%dma_start3A_174 : memref<80xi32, #tpu.memory_space<hbm>>) target(%arg10 : memref<80xi32, #tpu.memory_space<vmem>>) target_semaphore(%arg25 : memref<!tpu.dma_semaphore, #tpu.memory_space<semaphore_mem>>)
    %mul3A_175 = arith.constant 10000 : i32
    %mul3A_176 = arith.muli %add3A, %mul3A_175 : i32
    %add3A_177 = arith.constant 0 : i32
    %add3A_178 = arith.addi %mul3A_176, %add3A_177 : i32
    %dma_wait3A_179 = tpu.memref_slice %arg3[%add3A_178] : memref<640000xi32, #tpu.memory_space<hbm>> -> memref<80xi32, #tpu.memory_space<hbm>>
    %dma_wait3A_180 = tpu.memref_slice %arg3[%add3A_178] : memref<640000xi32, #tpu.memory_space<hbm>> -> memref<80xi32, #tpu.memory_space<hbm>>
    tpu.wait_dma2 semaphore(%arg21 : memref<!tpu.dma_semaphore, #tpu.memory_space<semaphore_mem>>) src(%dma_wait3A_180 : memref<80xi32, #tpu.memory_space<hbm>>) dst(%arg6 : memref<80xi32, #tpu.memory_space<vmem>>)
    %dma_start3A_181 = arith.constant 0 : i32
    %dma_start3A_182 = arith.constant 0 : i32
    %dma_start3A_183 = tpu.memref_slice %arg2[%dma_start3A_181, %dma_start3A_182] : memref<10000x128xf32, #tpu.memory_space<hbm>> -> memref<10000x128xf32, #tpu.memory_space<hbm>>
    tpu.enqueue_indirect_dma source(%dma_start3A_183 : memref<10000x128xf32, #tpu.memory_space<hbm>>) target(%arg12 : memref<80x128xf32, #tpu.memory_space<vmem>>) offsets(%arg6 : memref<80xi32, #tpu.memory_space<vmem>>) semaphore(%arg17 : memref<!tpu.dma_semaphore, #tpu.memory_space<semaphore_mem>>)
    %mul3A_184 = arith.constant 10000 : i32
    %mul3A_185 = arith.muli %add3A, %mul3A_184 : i32
    %add3A_186 = arith.constant 80 : i32
    %add3A_187 = arith.addi %mul3A_185, %add3A_186 : i32
    %dma_wait3A_188 = tpu.memref_slice %arg3[%add3A_187] : memref<640000xi32, #tpu.memory_space<hbm>> -> memref<80xi32, #tpu.memory_space<hbm>>
    %dma_wait3A_189 = tpu.memref_slice %arg3[%add3A_187] : memref<640000xi32, #tpu.memory_space<hbm>> -> memref<80xi32, #tpu.memory_space<hbm>>
    tpu.wait_dma2 semaphore(%arg22 : memref<!tpu.dma_semaphore, #tpu.memory_space<semaphore_mem>>) src(%dma_wait3A_189 : memref<80xi32, #tpu.memory_space<hbm>>) dst(%arg7 : memref<80xi32, #tpu.memory_space<vmem>>)
    %dma_start3A_190 = arith.constant 0 : i32
    %dma_start3A_191 = arith.constant 0 : i32
    %dma_start3A_192 = tpu.memref_slice %arg2[%dma_start3A_190, %dma_start3A_191] : memref<10000x128xf32, #tpu.memory_space<hbm>> -> memref<10000x128xf32, #tpu.memory_space<hbm>>
    tpu.enqueue_indirect_dma source(%dma_start3A_192 : memref<10000x128xf32, #tpu.memory_space<hbm>>) target(%arg13 : memref<80x128xf32, #tpu.memory_space<vmem>>) offsets(%arg7 : memref<80xi32, #tpu.memory_space<vmem>>) semaphore(%arg18 : memref<!tpu.dma_semaphore, #tpu.memory_space<semaphore_mem>>)
    %scan3A_193 = arith.constant 0 : i32
    %scan3A_194 = arith.constant 0 : i32
    %scan3A_195 = arith.constant 41 : i32
    %scan3A_196 = arith.addi %scan3A_194, %scan3A_195 : i32
    %scan3A_197 = arith.constant 1 : i32
    scf.for %scan3A_408 = %scan3A_194 to %scan3A_196 step %scan3A_197  : i32 {
      %mul3A_409 = arith.constant 3 : i32
      %mul3A_410 = arith.muli %scan3A_408, %mul3A_409 : i32
      %add3A_411 = arith.constant 0 : i32
      %add3A_412 = arith.addi %mul3A_410, %add3A_411 : i32
      %dma_wait3A_413 = arith.constant 0 : i32
      %dma_wait3A_414 = arith.constant 0 : i32
      %dma_wait3A_415 = tpu.memref_slice %arg2[%dma_wait3A_413, %dma_wait3A_414] : memref<10000x128xf32, #tpu.memory_space<hbm>> -> memref<10000x128xf32, #tpu.memory_space<hbm>>
      tpu.wait_indirect_dma semaphore(%arg17 : memref<!tpu.dma_semaphore, #tpu.memory_space<semaphore_mem>>) src(%dma_wait3A_415 : memref<10000x128xf32, #tpu.memory_space<hbm>>) dst(%arg12 : memref<80x128xf32, #tpu.memory_space<vmem>>)
      %ge3A = arith.constant 1 : i32
      %ge3A_416 = arith.cmpi sge, %add3A_412, %ge3A : i32
      %convert_element_type3A = arith.extui %ge3A_416 : i1 to i32
      %cond3A = arith.constant 0 : i32
      %cond3A_417 = arith.cmpi ne, %convert_element_type3A, %cond3A : i32
      scf.if %cond3A_417 {
        %dma_wait3A_549 = arith.constant 0 : i32
        %dma_wait3A_550 = arith.constant 0 : i32
        %dma_wait3A_551 = tpu.memref_slice %arg16[%dma_wait3A_549, %dma_wait3A_550] : memref<10240x128xf32, #tpu.memory_space<vmem_shared>> -> memref<10240x128xf32, #tpu.memory_space<vmem_shared>>
        tpu.wait_indirect_dma semaphore(%arg20 : memref<!tpu.dma_semaphore, #tpu.memory_space<semaphore_mem>>) src(%arg14 : memref<80x128xf32, #tpu.memory_space<vmem>>) dst(%dma_wait3A_551 : memref<10240x128xf32, #tpu.memory_space<vmem_shared>>)
      } else {
      }
      %add3A_418 = arith.constant 2 : i32
      %add3A_419 = arith.addi %add3A_412, %add3A_418 : i32
      %lt3A = arith.constant 125 : i32
      %lt3A_420 = arith.cmpi slt, %add3A_419, %lt3A : i32
      %convert_element_type3A_421 = arith.extui %lt3A_420 : i1 to i32
      %cond3A_422 = arith.constant 0 : i32
      %cond3A_423 = arith.cmpi ne, %convert_element_type3A_421, %cond3A_422 : i32
      scf.if %cond3A_423 {
        %add3A_549 = arith.constant 2 : i32
        %add3A_550 = arith.addi %add3A_412, %add3A_549 : i32
        %add3A_551 = arith.constant 32 : i32
        %add3A_552 = arith.addi %add3A_551, %add3A : i32
        %mul3A_553 = arith.constant 10000 : i32
        %mul3A_554 = arith.muli %add3A_552, %mul3A_553 : i32
        %mul3A_555 = arith.constant 80 : i32
        %mul3A_556 = arith.muli %add3A_550, %mul3A_555 : i32
        %add3A_557 = arith.addi %mul3A_554, %mul3A_556 : i32
        %dma_start3A_558 = tpu.memref_slice %arg3[%add3A_557] : memref<640000xi32, #tpu.memory_space<hbm>> -> memref<80xi32, #tpu.memory_space<hbm>>
        %dma_start3A_559 = tpu.memref_slice %arg3[%add3A_557] : memref<640000xi32, #tpu.memory_space<hbm>> -> memref<80xi32, #tpu.memory_space<hbm>>
        tpu.enqueue_dma source(%dma_start3A_559 : memref<80xi32, #tpu.memory_space<hbm>>) target(%arg11 : memref<80xi32, #tpu.memory_space<vmem>>) target_semaphore(%arg26 : memref<!tpu.dma_semaphore, #tpu.memory_space<semaphore_mem>>)
        %add3A_560 = arith.constant 2 : i32
        %add3A_561 = arith.addi %add3A_412, %add3A_560 : i32
        %mul3A_562 = arith.constant 10000 : i32
        %mul3A_563 = arith.muli %add3A, %mul3A_562 : i32
        %mul3A_564 = arith.constant 80 : i32
        %mul3A_565 = arith.muli %add3A_561, %mul3A_564 : i32
        %add3A_566 = arith.addi %mul3A_563, %mul3A_565 : i32
        %dma_wait3A_567 = tpu.memref_slice %arg3[%add3A_566] : memref<640000xi32, #tpu.memory_space<hbm>> -> memref<80xi32, #tpu.memory_space<hbm>>
        %dma_wait3A_568 = tpu.memref_slice %arg3[%add3A_566] : memref<640000xi32, #tpu.memory_space<hbm>> -> memref<80xi32, #tpu.memory_space<hbm>>
        tpu.wait_dma2 semaphore(%arg23 : memref<!tpu.dma_semaphore, #tpu.memory_space<semaphore_mem>>) src(%dma_wait3A_568 : memref<80xi32, #tpu.memory_space<hbm>>) dst(%arg8 : memref<80xi32, #tpu.memory_space<vmem>>)
        %dma_start3A_569 = arith.constant 0 : i32
        %dma_start3A_570 = arith.constant 0 : i32
        %dma_start3A_571 = tpu.memref_slice %arg2[%dma_start3A_569, %dma_start3A_570] : memref<10000x128xf32, #tpu.memory_space<hbm>> -> memref<10000x128xf32, #tpu.memory_space<hbm>>
        tpu.enqueue_indirect_dma source(%dma_start3A_571 : memref<10000x128xf32, #tpu.memory_space<hbm>>) target(%arg14 : memref<80x128xf32, #tpu.memory_space<vmem>>) offsets(%arg8 : memref<80xi32, #tpu.memory_space<vmem>>) semaphore(%arg19 : memref<!tpu.dma_semaphore, #tpu.memory_space<semaphore_mem>>)
      } else {
      }
      %add3A_424 = arith.constant 3 : i32
      %add3A_425 = arith.addi %add3A_412, %add3A_424 : i32
      %lt3A_426 = arith.constant 125 : i32
      %lt3A_427 = arith.cmpi slt, %add3A_425, %lt3A_426 : i32
      %convert_element_type3A_428 = arith.extui %lt3A_427 : i1 to i32
      %cond3A_429 = arith.constant 0 : i32
      %cond3A_430 = arith.cmpi ne, %convert_element_type3A_428, %cond3A_429 : i32
      scf.if %cond3A_430 {
        %add3A_549 = arith.constant 3 : i32
        %add3A_550 = arith.addi %add3A_412, %add3A_549 : i32
        %mul3A_551 = arith.constant 10000 : i32
        %mul3A_552 = arith.muli %add3A, %mul3A_551 : i32
        %mul3A_553 = arith.constant 80 : i32
        %mul3A_554 = arith.muli %add3A_550, %mul3A_553 : i32
        %add3A_555 = arith.addi %mul3A_552, %mul3A_554 : i32
        %dma_start3A_556 = tpu.memref_slice %arg3[%add3A_555] : memref<640000xi32, #tpu.memory_space<hbm>> -> memref<80xi32, #tpu.memory_space<hbm>>
        %dma_start3A_557 = tpu.memref_slice %arg3[%add3A_555] : memref<640000xi32, #tpu.memory_space<hbm>> -> memref<80xi32, #tpu.memory_space<hbm>>
        tpu.enqueue_dma source(%dma_start3A_557 : memref<80xi32, #tpu.memory_space<hbm>>) target(%arg6 : memref<80xi32, #tpu.memory_space<vmem>>) target_semaphore(%arg21 : memref<!tpu.dma_semaphore, #tpu.memory_space<semaphore_mem>>)
      } else {
      }
      %add3A_431 = arith.constant 32 : i32
      %add3A_432 = arith.addi %add3A_431, %add3A : i32
      %mul3A_433 = arith.constant 10000 : i32
      %mul3A_434 = arith.muli %add3A_432, %mul3A_433 : i32
      %mul3A_435 = arith.constant 80 : i32
      %mul3A_436 = arith.muli %add3A_412, %mul3A_435 : i32
      %add3A_437 = arith.addi %mul3A_434, %mul3A_436 : i32
      %dma_wait3A_438 = tpu.memref_slice %arg3[%add3A_437] : memref<640000xi32, #tpu.memory_space<hbm>> -> memref<80xi32, #tpu.memory_space<hbm>>
      %dma_wait3A_439 = tpu.memref_slice %arg3[%add3A_437] : memref<640000xi32, #tpu.memory_space<hbm>> -> memref<80xi32, #tpu.memory_space<hbm>>
      tpu.wait_dma2 semaphore(%arg24 : memref<!tpu.dma_semaphore, #tpu.memory_space<semaphore_mem>>) src(%dma_wait3A_439 : memref<80xi32, #tpu.memory_space<hbm>>) dst(%arg9 : memref<80xi32, #tpu.memory_space<vmem>>)
      %get3A_440 = arith.constant 0 : index
      %get3A_441 = tpu.vector_load %arg9[%get3A_440] {strides = array<i32>} : memref<80xi32, #tpu.memory_space<vmem>>, vector<16xi32>,
      tpu.vector_store_idx %arg15[%get3A_441], %broadcast_in_dim3A_3 {add = true} : memref<10240xf32, #tpu.memory_space<vmem>>[vector<16xi32>], vector<16xf32>,
      %get3A_442 = arith.constant 16 : index
      %get3A_443 = tpu.vector_load %arg9[%get3A_442] {strides = array<i32>} : memref<80xi32, #tpu.memory_space<vmem>>, vector<16xi32>,
      tpu.vector_store_idx %arg15[%get3A_443], %broadcast_in_dim3A_3 {add = true} : memref<10240xf32, #tpu.memory_space<vmem>>[vector<16xi32>], vector<16xf32>,
      %get3A_444 = arith.constant 32 : index
      %get3A_445 = tpu.vector_load %arg9[%get3A_444] {strides = array<i32>} : memref<80xi32, #tpu.memory_space<vmem>>, vector<16xi32>,
      tpu.vector_store_idx %arg15[%get3A_445], %broadcast_in_dim3A_3 {add = true} : memref<10240xf32, #tpu.memory_space<vmem>>[vector<16xi32>], vector<16xf32>,
      %get3A_446 = arith.constant 48 : index
      %get3A_447 = tpu.vector_load %arg9[%get3A_446] {strides = array<i32>} : memref<80xi32, #tpu.memory_space<vmem>>, vector<16xi32>,
      tpu.vector_store_idx %arg15[%get3A_447], %broadcast_in_dim3A_3 {add = true} : memref<10240xf32, #tpu.memory_space<vmem>>[vector<16xi32>], vector<16xf32>,
      %get3A_448 = arith.constant 64 : index
      %get3A_449 = tpu.vector_load %arg9[%get3A_448] {strides = array<i32>} : memref<80xi32, #tpu.memory_space<vmem>>, vector<16xi32>,
      tpu.vector_store_idx %arg15[%get3A_449], %broadcast_in_dim3A_3 {add = true} : memref<10240xf32, #tpu.memory_space<vmem>>[vector<16xi32>], vector<16xf32>,
      %dma_start3A_450 = arith.constant 0 : i32
      %dma_start3A_451 = arith.constant 0 : i32
      %dma_start3A_452 = tpu.memref_slice %arg16[%dma_start3A_450, %dma_start3A_451] : memref<10240x128xf32, #tpu.memory_space<vmem_shared>> -> memref<10240x128xf32, #tpu.memory_space<vmem_shared>>
      tpu.enqueue_indirect_dma source(%arg12 : memref<80x128xf32, #tpu.memory_space<vmem>>) target(%dma_start3A_452 : memref<10240x128xf32, #tpu.memory_space<vmem_shared>>) offsets(%arg9 : memref<80xi32, #tpu.memory_space<vmem>>) semaphore(%arg20 : memref<!tpu.dma_semaphore, #tpu.memory_space<semaphore_mem>>) {add = true}
      %mul3A_453 = arith.constant 3 : i32
      %mul3A_454 = arith.muli %scan3A_408, %mul3A_453 : i32
      %add3A_455 = arith.constant 1 : i32
      %add3A_456 = arith.addi %mul3A_454, %add3A_455 : i32
      %dma_wait3A_457 = arith.constant 0 : i32
      %dma_wait3A_458 = arith.constant 0 : i32
      %dma_wait3A_459 = tpu.memref_slice %arg2[%dma_wait3A_457, %dma_wait3A_458] : memref<10000x128xf32, #tpu.memory_space<hbm>> -> memref<10000x128xf32, #tpu.memory_space<hbm>>
      tpu.wait_indirect_dma semaphore(%arg18 : memref<!tpu.dma_semaphore, #tpu.memory_space<semaphore_mem>>) src(%dma_wait3A_459 : memref<10000x128xf32, #tpu.memory_space<hbm>>) dst(%arg13 : memref<80x128xf32, #tpu.memory_space<vmem>>)
      %ge3A_460 = arith.constant 1 : i32
      %ge3A_461 = arith.cmpi sge, %add3A_456, %ge3A_460 : i32
      %convert_element_type3A_462 = arith.extui %ge3A_461 : i1 to i32
      %cond3A_463 = arith.constant 0 : i32
      %cond3A_464 = arith.cmpi ne, %convert_element_type3A_462, %cond3A_463 : i32
      scf.if %cond3A_464 {
        %dma_wait3A_549 = arith.constant 0 : i32
        %dma_wait3A_550 = arith.constant 0 : i32
        %dma_wait3A_551 = tpu.memref_slice %arg16[%dma_wait3A_549, %dma_wait3A_550] : memref<10240x128xf32, #tpu.memory_space<vmem_shared>> -> memref<10240x128xf32, #tpu.memory_space<vmem_shared>>
        tpu.wait_indirect_dma semaphore(%arg20 : memref<!tpu.dma_semaphore, #tpu.memory_space<semaphore_mem>>) src(%arg12 : memref<80x128xf32, #tpu.memory_space<vmem>>) dst(%dma_wait3A_551 : memref<10240x128xf32, #tpu.memory_space<vmem_shared>>)
      } else {
      }
      %add3A_465 = arith.constant 2 : i32
      %add3A_466 = arith.addi %add3A_456, %add3A_465 : i32
      %lt3A_467 = arith.constant 125 : i32
      %lt3A_468 = arith.cmpi slt, %add3A_466, %lt3A_467 : i32
      %convert_element_type3A_469 = arith.extui %lt3A_468 : i1 to i32
      %cond3A_470 = arith.constant 0 : i32
      %cond3A_471 = arith.cmpi ne, %convert_element_type3A_469, %cond3A_470 : i32
      scf.if %cond3A_471 {
        %add3A_549 = arith.constant 2 : i32
        %add3A_550 = arith.addi %add3A_456, %add3A_549 : i32
        %add3A_551 = arith.constant 32 : i32
        %add3A_552 = arith.addi %add3A_551, %add3A : i32
        %mul3A_553 = arith.constant 10000 : i32
        %mul3A_554 = arith.muli %add3A_552, %mul3A_553 : i32
        %mul3A_555 = arith.constant 80 : i32
        %mul3A_556 = arith.muli %add3A_550, %mul3A_555 : i32
        %add3A_557 = arith.addi %mul3A_554, %mul3A_556 : i32
        %dma_start3A_558 = tpu.memref_slice %arg3[%add3A_557] : memref<640000xi32, #tpu.memory_space<hbm>> -> memref<80xi32, #tpu.memory_space<hbm>>
        %dma_start3A_559 = tpu.memref_slice %arg3[%add3A_557] : memref<640000xi32, #tpu.memory_space<hbm>> -> memref<80xi32, #tpu.memory_space<hbm>>
        tpu.enqueue_dma source(%dma_start3A_559 : memref<80xi32, #tpu.memory_space<hbm>>) target(%arg9 : memref<80xi32, #tpu.memory_space<vmem>>) target_semaphore(%arg24 : memref<!tpu.dma_semaphore, #tpu.memory_space<semaphore_mem>>)
        %add3A_560 = arith.constant 2 : i32
        %add3A_561 = arith.addi %add3A_456, %add3A_560 : i32
        %mul3A_562 = arith.constant 10000 : i32
        %mul3A_563 = arith.muli %add3A, %mul3A_562 : i32
        %mul3A_564 = arith.constant 80 : i32
        %mul3A_565 = arith.muli %add3A_561, %mul3A_564 : i32
        %add3A_566 = arith.addi %mul3A_563, %mul3A_565 : i32
        %dma_wait3A_567 = tpu.memref_slice %arg3[%add3A_566] : memref<640000xi32, #tpu.memory_space<hbm>> -> memref<80xi32, #tpu.memory_space<hbm>>
        %dma_wait3A_568 = tpu.memref_slice %arg3[%add3A_566] : memref<640000xi32, #tpu.memory_space<hbm>> -> memref<80xi32, #tpu.memory_space<hbm>>
        tpu.wait_dma2 semaphore(%arg21 : memref<!tpu.dma_semaphore, #tpu.memory_space<semaphore_mem>>) src(%dma_wait3A_568 : memref<80xi32, #tpu.memory_space<hbm>>) dst(%arg6 : memref<80xi32, #tpu.memory_space<vmem>>)
        %dma_start3A_569 = arith.constant 0 : i32
        %dma_start3A_570 = arith.constant 0 : i32
        %dma_start3A_571 = tpu.memref_slice %arg2[%dma_start3A_569, %dma_start3A_570] : memref<10000x128xf32, #tpu.memory_space<hbm>> -> memref<10000x128xf32, #tpu.memory_space<hbm>>
        tpu.enqueue_indirect_dma source(%dma_start3A_571 : memref<10000x128xf32, #tpu.memory_space<hbm>>) target(%arg12 : memref<80x128xf32, #tpu.memory_space<vmem>>) offsets(%arg6 : memref<80xi32, #tpu.memory_space<vmem>>) semaphore(%arg17 : memref<!tpu.dma_semaphore, #tpu.memory_space<semaphore_mem>>)
      } else {
      }
      %add3A_472 = arith.constant 3 : i32
      %add3A_473 = arith.addi %add3A_456, %add3A_472 : i32
      %lt3A_474 = arith.constant 125 : i32
      %lt3A_475 = arith.cmpi slt, %add3A_473, %lt3A_474 : i32
      %convert_element_type3A_476 = arith.extui %lt3A_475 : i1 to i32
      %cond3A_477 = arith.constant 0 : i32
      %cond3A_478 = arith.cmpi ne, %convert_element_type3A_476, %cond3A_477 : i32
      scf.if %cond3A_478 {
        %add3A_549 = arith.constant 3 : i32
        %add3A_550 = arith.addi %add3A_456, %add3A_549 : i32
        %mul3A_551 = arith.constant 10000 : i32
        %mul3A_552 = arith.muli %add3A, %mul3A_551 : i32
        %mul3A_553 = arith.constant 80 : i32
        %mul3A_554 = arith.muli %add3A_550, %mul3A_553 : i32
        %add3A_555 = arith.addi %mul3A_552, %mul3A_554 : i32
        %dma_start3A_556 = tpu.memref_slice %arg3[%add3A_555] : memref<640000xi32, #tpu.memory_space<hbm>> -> memref<80xi32, #tpu.memory_space<hbm>>
        %dma_start3A_557 = tpu.memref_slice %arg3[%add3A_555] : memref<640000xi32, #tpu.memory_space<hbm>> -> memref<80xi32, #tpu.memory_space<hbm>>
        tpu.enqueue_dma source(%dma_start3A_557 : memref<80xi32, #tpu.memory_space<hbm>>) target(%arg7 : memref<80xi32, #tpu.memory_space<vmem>>) target_semaphore(%arg22 : memref<!tpu.dma_semaphore, #tpu.memory_space<semaphore_mem>>)
      } else {
      }
      %add3A_479 = arith.constant 32 : i32
      %add3A_480 = arith.addi %add3A_479, %add3A : i32
      %mul3A_481 = arith.constant 10000 : i32
      %mul3A_482 = arith.muli %add3A_480, %mul3A_481 : i32
      %mul3A_483 = arith.constant 80 : i32
      %mul3A_484 = arith.muli %add3A_456, %mul3A_483 : i32
      %add3A_485 = arith.addi %mul3A_482, %mul3A_484 : i32
      %dma_wait3A_486 = tpu.memref_slice %arg3[%add3A_485] : memref<640000xi32, #tpu.memory_space<hbm>> -> memref<80xi32, #tpu.memory_space<hbm>>
      %dma_wait3A_487 = tpu.memref_slice %arg3[%add3A_485] : memref<640000xi32, #tpu.memory_space<hbm>> -> memref<80xi32, #tpu.memory_space<hbm>>
      tpu.wait_dma2 semaphore(%arg25 : memref<!tpu.dma_semaphore, #tpu.memory_space<semaphore_mem>>) src(%dma_wait3A_487 : memref<80xi32, #tpu.memory_space<hbm>>) dst(%arg10 : memref<80xi32, #tpu.memory_space<vmem>>)
      %get3A_488 = arith.constant 0 : index
      %get3A_489 = tpu.vector_load %arg10[%get3A_488] {strides = array<i32>} : memref<80xi32, #tpu.memory_space<vmem>>, vector<16xi32>,
      tpu.vector_store_idx %arg15[%get3A_489], %broadcast_in_dim3A_3 {add = true} : memref<10240xf32, #tpu.memory_space<vmem>>[vector<16xi32>], vector<16xf32>,
      %get3A_490 = arith.constant 16 : index
      %get3A_491 = tpu.vector_load %arg10[%get3A_490] {strides = array<i32>} : memref<80xi32, #tpu.memory_space<vmem>>, vector<16xi32>,
      tpu.vector_store_idx %arg15[%get3A_491], %broadcast_in_dim3A_3 {add = true} : memref<10240xf32, #tpu.memory_space<vmem>>[vector<16xi32>], vector<16xf32>,
      %get3A_492 = arith.constant 32 : index
      %get3A_493 = tpu.vector_load %arg10[%get3A_492] {strides = array<i32>} : memref<80xi32, #tpu.memory_space<vmem>>, vector<16xi32>,
      tpu.vector_store_idx %arg15[%get3A_493], %broadcast_in_dim3A_3 {add = true} : memref<10240xf32, #tpu.memory_space<vmem>>[vector<16xi32>], vector<16xf32>,
      %get3A_494 = arith.constant 48 : index
      %get3A_495 = tpu.vector_load %arg10[%get3A_494] {strides = array<i32>} : memref<80xi32, #tpu.memory_space<vmem>>, vector<16xi32>,
      tpu.vector_store_idx %arg15[%get3A_495], %broadcast_in_dim3A_3 {add = true} : memref<10240xf32, #tpu.memory_space<vmem>>[vector<16xi32>], vector<16xf32>,
      %get3A_496 = arith.constant 64 : index
      %get3A_497 = tpu.vector_load %arg10[%get3A_496] {strides = array<i32>} : memref<80xi32, #tpu.memory_space<vmem>>, vector<16xi32>,
      tpu.vector_store_idx %arg15[%get3A_497], %broadcast_in_dim3A_3 {add = true} : memref<10240xf32, #tpu.memory_space<vmem>>[vector<16xi32>], vector<16xf32>,
      %dma_start3A_498 = arith.constant 0 : i32
      %dma_start3A_499 = arith.constant 0 : i32
      %dma_start3A_500 = tpu.memref_slice %arg16[%dma_start3A_498, %dma_start3A_499] : memref<10240x128xf32, #tpu.memory_space<vmem_shared>> -> memref<10240x128xf32, #tpu.memory_space<vmem_shared>>
      tpu.enqueue_indirect_dma source(%arg13 : memref<80x128xf32, #tpu.memory_space<vmem>>) target(%dma_start3A_500 : memref<10240x128xf32, #tpu.memory_space<vmem_shared>>) offsets(%arg10 : memref<80xi32, #tpu.memory_space<vmem>>) semaphore(%arg20 : memref<!tpu.dma_semaphore, #tpu.memory_space<semaphore_mem>>) {add = true}
      %mul3A_501 = arith.constant 3 : i32
      %mul3A_502 = arith.muli %scan3A_408, %mul3A_501 : i32
      %add3A_503 = arith.constant 2 : i32
      %add3A_504 = arith.addi %mul3A_502, %add3A_503 : i32
      %dma_wait3A_505 = arith.constant 0 : i32
      %dma_wait3A_506 = arith.constant 0 : i32
      %dma_wait3A_507 = tpu.memref_slice %arg2[%dma_wait3A_505, %dma_wait3A_506] : memref<10000x128xf32, #tpu.memory_space<hbm>> -> memref<10000x128xf32, #tpu.memory_space<hbm>>
      tpu.wait_indirect_dma semaphore(%arg19 : memref<!tpu.dma_semaphore, #tpu.memory_space<semaphore_mem>>) src(%dma_wait3A_507 : memref<10000x128xf32, #tpu.memory_space<hbm>>) dst(%arg14 : memref<80x128xf32, #tpu.memory_space<vmem>>)
      %ge3A_508 = arith.constant 1 : i32
      %ge3A_509 = arith.cmpi sge, %add3A_504, %ge3A_508 : i32
      %convert_element_type3A_510 = arith.extui %ge3A_509 : i1 to i32
      %cond3A_511 = arith.constant 0 : i32
      %cond3A_512 = arith.cmpi ne, %convert_element_type3A_510, %cond3A_511 : i32
      scf.if %cond3A_512 {
        %dma_wait3A_549 = arith.constant 0 : i32
        %dma_wait3A_550 = arith.constant 0 : i32
        %dma_wait3A_551 = tpu.memref_slice %arg16[%dma_wait3A_549, %dma_wait3A_550] : memref<10240x128xf32, #tpu.memory_space<vmem_shared>> -> memref<10240x128xf32, #tpu.memory_space<vmem_shared>>
        tpu.wait_indirect_dma semaphore(%arg20 : memref<!tpu.dma_semaphore, #tpu.memory_space<semaphore_mem>>) src(%arg13 : memref<80x128xf32, #tpu.memory_space<vmem>>) dst(%dma_wait3A_551 : memref<10240x128xf32, #tpu.memory_space<vmem_shared>>)
      } else {
      }
      %add3A_513 = arith.constant 2 : i32
      %add3A_514 = arith.addi %add3A_504, %add3A_513 : i32
      %lt3A_515 = arith.constant 125 : i32
      %lt3A_516 = arith.cmpi slt, %add3A_514, %lt3A_515 : i32
      %convert_element_type3A_517 = arith.extui %lt3A_516 : i1 to i32
      %cond3A_518 = arith.constant 0 : i32
      %cond3A_519 = arith.cmpi ne, %convert_element_type3A_517, %cond3A_518 : i32
      scf.if %cond3A_519 {
        %add3A_549 = arith.constant 2 : i32
        %add3A_550 = arith.addi %add3A_504, %add3A_549 : i32
        %add3A_551 = arith.constant 32 : i32
        %add3A_552 = arith.addi %add3A_551, %add3A : i32
        %mul3A_553 = arith.constant 10000 : i32
        %mul3A_554 = arith.muli %add3A_552, %mul3A_553 : i32
        %mul3A_555 = arith.constant 80 : i32
        %mul3A_556 = arith.muli %add3A_550, %mul3A_555 : i32
        %add3A_557 = arith.addi %mul3A_554, %mul3A_556 : i32
        %dma_start3A_558 = tpu.memref_slice %arg3[%add3A_557] : memref<640000xi32, #tpu.memory_space<hbm>> -> memref<80xi32, #tpu.memory_space<hbm>>
        %dma_start3A_559 = tpu.memref_slice %arg3[%add3A_557] : memref<640000xi32, #tpu.memory_space<hbm>> -> memref<80xi32, #tpu.memory_space<hbm>>
        tpu.enqueue_dma source(%dma_start3A_559 : memref<80xi32, #tpu.memory_space<hbm>>) target(%arg10 : memref<80xi32, #tpu.memory_space<vmem>>) target_semaphore(%arg25 : memref<!tpu.dma_semaphore, #tpu.memory_space<semaphore_mem>>)
        %add3A_560 = arith.constant 2 : i32
        %add3A_561 = arith.addi %add3A_504, %add3A_560 : i32
        %mul3A_562 = arith.constant 10000 : i32
        %mul3A_563 = arith.muli %add3A, %mul3A_562 : i32
        %mul3A_564 = arith.constant 80 : i32
        %mul3A_565 = arith.muli %add3A_561, %mul3A_564 : i32
        %add3A_566 = arith.addi %mul3A_563, %mul3A_565 : i32
        %dma_wait3A_567 = tpu.memref_slice %arg3[%add3A_566] : memref<640000xi32, #tpu.memory_space<hbm>> -> memref<80xi32, #tpu.memory_space<hbm>>
        %dma_wait3A_568 = tpu.memref_slice %arg3[%add3A_566] : memref<640000xi32, #tpu.memory_space<hbm>> -> memref<80xi32, #tpu.memory_space<hbm>>
        tpu.wait_dma2 semaphore(%arg22 : memref<!tpu.dma_semaphore, #tpu.memory_space<semaphore_mem>>) src(%dma_wait3A_568 : memref<80xi32, #tpu.memory_space<hbm>>) dst(%arg7 : memref<80xi32, #tpu.memory_space<vmem>>)
        %dma_start3A_569 = arith.constant 0 : i32
        %dma_start3A_570 = arith.constant 0 : i32
        %dma_start3A_571 = tpu.memref_slice %arg2[%dma_start3A_569, %dma_start3A_570] : memref<10000x128xf32, #tpu.memory_space<hbm>> -> memref<10000x128xf32, #tpu.memory_space<hbm>>
        tpu.enqueue_indirect_dma source(%dma_start3A_571 : memref<10000x128xf32, #tpu.memory_space<hbm>>) target(%arg13 : memref<80x128xf32, #tpu.memory_space<vmem>>) offsets(%arg7 : memref<80xi32, #tpu.memory_space<vmem>>) semaphore(%arg18 : memref<!tpu.dma_semaphore, #tpu.memory_space<semaphore_mem>>)
      } else {
      }
      %add3A_520 = arith.constant 3 : i32
      %add3A_521 = arith.addi %add3A_504, %add3A_520 : i32
      %lt3A_522 = arith.constant 125 : i32
      %lt3A_523 = arith.cmpi slt, %add3A_521, %lt3A_522 : i32
      %convert_element_type3A_524 = arith.extui %lt3A_523 : i1 to i32
      %cond3A_525 = arith.constant 0 : i32
      %cond3A_526 = arith.cmpi ne, %convert_element_type3A_524, %cond3A_525 : i32
      scf.if %cond3A_526 {
        %add3A_549 = arith.constant 3 : i32
        %add3A_550 = arith.addi %add3A_504, %add3A_549 : i32
        %mul3A_551 = arith.constant 10000 : i32
        %mul3A_552 = arith.muli %add3A, %mul3A_551 : i32
        %mul3A_553 = arith.constant 80 : i32
        %mul3A_554 = arith.muli %add3A_550, %mul3A_553 : i32
        %add3A_555 = arith.addi %mul3A_552, %mul3A_554 : i32
        %dma_start3A_556 = tpu.memref_slice %arg3[%add3A_555] : memref<640000xi32, #tpu.memory_space<hbm>> -> memref<80xi32, #tpu.memory_space<hbm>>
        %dma_start3A_557 = tpu.memref_slice %arg3[%add3A_555] : memref<640000xi32, #tpu.memory_space<hbm>> -> memref<80xi32, #tpu.memory_space<hbm>>
        tpu.enqueue_dma source(%dma_start3A_557 : memref<80xi32, #tpu.memory_space<hbm>>) target(%arg8 : memref<80xi32, #tpu.memory_space<vmem>>) target_semaphore(%arg23 : memref<!tpu.dma_semaphore, #tpu.memory_space<semaphore_mem>>)
      } else {
      }
      %add3A_527 = arith.constant 32 : i32
      %add3A_528 = arith.addi %add3A_527, %add3A : i32
      %mul3A_529 = arith.constant 10000 : i32
      %mul3A_530 = arith.muli %add3A_528, %mul3A_529 : i32
      %mul3A_531 = arith.constant 80 : i32
      %mul3A_532 = arith.muli %add3A_504, %mul3A_531 : i32
      %add3A_533 = arith.addi %mul3A_530, %mul3A_532 : i32
      %dma_wait3A_534 = tpu.memref_slice %arg3[%add3A_533] : memref<640000xi32, #tpu.memory_space<hbm>> -> memref<80xi32, #tpu.memory_space<hbm>>
      %dma_wait3A_535 = tpu.memref_slice %arg3[%add3A_533] : memref<640000xi32, #tpu.memory_space<hbm>> -> memref<80xi32, #tpu.memory_space<hbm>>
      tpu.wait_dma2 semaphore(%arg26 : memref<!tpu.dma_semaphore, #tpu.memory_space<semaphore_mem>>) src(%dma_wait3A_535 : memref<80xi32, #tpu.memory_space<hbm>>) dst(%arg11 : memref<80xi32, #tpu.memory_space<vmem>>)
      %get3A_536 = arith.constant 0 : index
      %get3A_537 = tpu.vector_load %arg11[%get3A_536] {strides = array<i32>} : memref<80xi32, #tpu.memory_space<vmem>>, vector<16xi32>,
      tpu.vector_store_idx %arg15[%get3A_537], %broadcast_in_dim3A_3 {add = true} : memref<10240xf32, #tpu.memory_space<vmem>>[vector<16xi32>], vector<16xf32>,
      %get3A_538 = arith.constant 16 : index
      %get3A_539 = tpu.vector_load %arg11[%get3A_538] {strides = array<i32>} : memref<80xi32, #tpu.memory_space<vmem>>, vector<16xi32>,
      tpu.vector_store_idx %arg15[%get3A_539], %broadcast_in_dim3A_3 {add = true} : memref<10240xf32, #tpu.memory_space<vmem>>[vector<16xi32>], vector<16xf32>,
      %get3A_540 = arith.constant 32 : index
      %get3A_541 = tpu.vector_load %arg11[%get3A_540] {strides = array<i32>} : memref<80xi32, #tpu.memory_space<vmem>>, vector<16xi32>,
      tpu.vector_store_idx %arg15[%get3A_541], %broadcast_in_dim3A_3 {add = true} : memref<10240xf32, #tpu.memory_space<vmem>>[vector<16xi32>], vector<16xf32>,
      %get3A_542 = arith.constant 48 : index
      %get3A_543 = tpu.vector_load %arg11[%get3A_542] {strides = array<i32>} : memref<80xi32, #tpu.memory_space<vmem>>, vector<16xi32>,
      tpu.vector_store_idx %arg15[%get3A_543], %broadcast_in_dim3A_3 {add = true} : memref<10240xf32, #tpu.memory_space<vmem>>[vector<16xi32>], vector<16xf32>,
      %get3A_544 = arith.constant 64 : index
      %get3A_545 = tpu.vector_load %arg11[%get3A_544] {strides = array<i32>} : memref<80xi32, #tpu.memory_space<vmem>>, vector<16xi32>,
      tpu.vector_store_idx %arg15[%get3A_545], %broadcast_in_dim3A_3 {add = true} : memref<10240xf32, #tpu.memory_space<vmem>>[vector<16xi32>], vector<16xf32>,
      %dma_start3A_546 = arith.constant 0 : i32
      %dma_start3A_547 = arith.constant 0 : i32
      %dma_start3A_548 = tpu.memref_slice %arg16[%dma_start3A_546, %dma_start3A_547] : memref<10240x128xf32, #tpu.memory_space<vmem_shared>> -> memref<10240x128xf32, #tpu.memory_space<vmem_shared>>
      tpu.enqueue_indirect_dma source(%arg14 : memref<80x128xf32, #tpu.memory_space<vmem>>) target(%dma_start3A_548 : memref<10240x128xf32, #tpu.memory_space<vmem_shared>>) offsets(%arg11 : memref<80xi32, #tpu.memory_space<vmem>>) semaphore(%arg20 : memref<!tpu.dma_semaphore, #tpu.memory_space<semaphore_mem>>) {add = true}
    }
    %scan3A_198 = arith.constant 41 : i32
    %dma_wait3A_199 = arith.constant 0 : i32
    %dma_wait3A_200 = arith.constant 0 : i32
    %dma_wait3A_201 = tpu.memref_slice %arg2[%dma_wait3A_199, %dma_wait3A_200] : memref<10000x128xf32, #tpu.memory_space<hbm>> -> memref<10000x128xf32, #tpu.memory_space<hbm>>
    tpu.wait_indirect_dma semaphore(%arg17 : memref<!tpu.dma_semaphore, #tpu.memory_space<semaphore_mem>>) src(%dma_wait3A_201 : memref<10000x128xf32, #tpu.memory_space<hbm>>) dst(%arg12 : memref<80x128xf32, #tpu.memory_space<vmem>>)
    %dma_wait3A_202 = arith.constant 0 : i32
    %dma_wait3A_203 = arith.constant 0 : i32
    %dma_wait3A_204 = tpu.memref_slice %arg16[%dma_wait3A_202, %dma_wait3A_203] : memref<10240x128xf32, #tpu.memory_space<vmem_shared>> -> memref<10240x128xf32, #tpu.memory_space<vmem_shared>>
    tpu.wait_indirect_dma semaphore(%arg20 : memref<!tpu.dma_semaphore, #tpu.memory_space<semaphore_mem>>) src(%arg14 : memref<80x128xf32, #tpu.memory_space<vmem>>) dst(%dma_wait3A_204 : memref<10240x128xf32, #tpu.memory_space<vmem_shared>>)
    %add3A_205 = arith.constant 32 : i32
    %add3A_206 = arith.addi %add3A_205, %add3A : i32
    %mul3A_207 = arith.constant 10000 : i32
    %mul3A_208 = arith.muli %add3A_206, %mul3A_207 : i32
    %add3A_209 = arith.constant 9840 : i32
    %add3A_210 = arith.addi %mul3A_208, %add3A_209 : i32
    %dma_wait3A_211 = tpu.memref_slice %arg3[%add3A_210] : memref<640000xi32, #tpu.memory_space<hbm>> -> memref<80xi32, #tpu.memory_space<hbm>>
    %dma_wait3A_212 = tpu.memref_slice %arg3[%add3A_210] : memref<640000xi32, #tpu.memory_space<hbm>> -> memref<80xi32, #tpu.memory_space<hbm>>
    tpu.wait_dma2 semaphore(%arg24 : memref<!tpu.dma_semaphore, #tpu.memory_space<semaphore_mem>>) src(%dma_wait3A_212 : memref<80xi32, #tpu.memory_space<hbm>>) dst(%arg9 : memref<80xi32, #tpu.memory_space<vmem>>)
    %get3A = arith.constant 0 : index
    %get3A_213 = tpu.vector_load %arg9[%get3A] {strides = array<i32>} : memref<80xi32, #tpu.memory_space<vmem>>, vector<16xi32>,
    tpu.vector_store_idx %arg15[%get3A_213], %broadcast_in_dim3A_3 {add = true} : memref<10240xf32, #tpu.memory_space<vmem>>[vector<16xi32>], vector<16xf32>,
    %get3A_214 = arith.constant 16 : index
    %get3A_215 = tpu.vector_load %arg9[%get3A_214] {strides = array<i32>} : memref<80xi32, #tpu.memory_space<vmem>>, vector<16xi32>,
    tpu.vector_store_idx %arg15[%get3A_215], %broadcast_in_dim3A_3 {add = true} : memref<10240xf32, #tpu.memory_space<vmem>>[vector<16xi32>], vector<16xf32>,
    %get3A_216 = arith.constant 32 : index
    %get3A_217 = tpu.vector_load %arg9[%get3A_216] {strides = array<i32>} : memref<80xi32, #tpu.memory_space<vmem>>, vector<16xi32>,
    tpu.vector_store_idx %arg15[%get3A_217], %broadcast_in_dim3A_3 {add = true} : memref<10240xf32, #tpu.memory_space<vmem>>[vector<16xi32>], vector<16xf32>,
    %get3A_218 = arith.constant 48 : index
    %get3A_219 = tpu.vector_load %arg9[%get3A_218] {strides = array<i32>} : memref<80xi32, #tpu.memory_space<vmem>>, vector<16xi32>,
    tpu.vector_store_idx %arg15[%get3A_219], %broadcast_in_dim3A_3 {add = true} : memref<10240xf32, #tpu.memory_space<vmem>>[vector<16xi32>], vector<16xf32>,
    %get3A_220 = arith.constant 64 : index
    %get3A_221 = tpu.vector_load %arg9[%get3A_220] {strides = array<i32>} : memref<80xi32, #tpu.memory_space<vmem>>, vector<16xi32>,
    tpu.vector_store_idx %arg15[%get3A_221], %broadcast_in_dim3A_3 {add = true} : memref<10240xf32, #tpu.memory_space<vmem>>[vector<16xi32>], vector<16xf32>,
    %dma_start3A_222 = arith.constant 0 : i32
    %dma_start3A_223 = arith.constant 0 : i32
    %dma_start3A_224 = tpu.memref_slice %arg16[%dma_start3A_222, %dma_start3A_223] : memref<10240x128xf32, #tpu.memory_space<vmem_shared>> -> memref<10240x128xf32, #tpu.memory_space<vmem_shared>>
    tpu.enqueue_indirect_dma source(%arg12 : memref<80x128xf32, #tpu.memory_space<vmem>>) target(%dma_start3A_224 : memref<10240x128xf32, #tpu.memory_space<vmem_shared>>) offsets(%arg9 : memref<80xi32, #tpu.memory_space<vmem>>) semaphore(%arg20 : memref<!tpu.dma_semaphore, #tpu.memory_space<semaphore_mem>>) {add = true}
    %dma_wait3A_225 = arith.constant 0 : i32
    %dma_wait3A_226 = arith.constant 0 : i32
    %dma_wait3A_227 = tpu.memref_slice %arg2[%dma_wait3A_225, %dma_wait3A_226] : memref<10000x128xf32, #tpu.memory_space<hbm>> -> memref<10000x128xf32, #tpu.memory_space<hbm>>
    tpu.wait_indirect_dma semaphore(%arg18 : memref<!tpu.dma_semaphore, #tpu.memory_space<semaphore_mem>>) src(%dma_wait3A_227 : memref<10000x128xf32, #tpu.memory_space<hbm>>) dst(%arg13 : memref<80x128xf32, #tpu.memory_space<vmem>>)
    %dma_wait3A_228 = arith.constant 0 : i32
    %dma_wait3A_229 = arith.constant 0 : i32
    %dma_wait3A_230 = tpu.memref_slice %arg16[%dma_wait3A_228, %dma_wait3A_229] : memref<10240x128xf32, #tpu.memory_space<vmem_shared>> -> memref<10240x128xf32, #tpu.memory_space<vmem_shared>>
    tpu.wait_indirect_dma semaphore(%arg20 : memref<!tpu.dma_semaphore, #tpu.memory_space<semaphore_mem>>) src(%arg12 : memref<80x128xf32, #tpu.memory_space<vmem>>) dst(%dma_wait3A_230 : memref<10240x128xf32, #tpu.memory_space<vmem_shared>>)
    %add3A_231 = arith.constant 32 : i32
    %add3A_232 = arith.addi %add3A_231, %add3A : i32
    %mul3A_233 = arith.constant 10000 : i32
    %mul3A_234 = arith.muli %add3A_232, %mul3A_233 : i32
    %add3A_235 = arith.constant 9920 : i32
    %add3A_236 = arith.addi %mul3A_234, %add3A_235 : i32
    %dma_wait3A_237 = tpu.memref_slice %arg3[%add3A_236] : memref<640000xi32, #tpu.memory_space<hbm>> -> memref<80xi32, #tpu.memory_space<hbm>>
    %dma_wait3A_238 = tpu.memref_slice %arg3[%add3A_236] : memref<640000xi32, #tpu.memory_space<hbm>> -> memref<80xi32, #tpu.memory_space<hbm>>
    tpu.wait_dma2 semaphore(%arg25 : memref<!tpu.dma_semaphore, #tpu.memory_space<semaphore_mem>>) src(%dma_wait3A_238 : memref<80xi32, #tpu.memory_space<hbm>>) dst(%arg10 : memref<80xi32, #tpu.memory_space<vmem>>)
    %get3A_239 = arith.constant 0 : index
    %get3A_240 = tpu.vector_load %arg10[%get3A_239] {strides = array<i32>} : memref<80xi32, #tpu.memory_space<vmem>>, vector<16xi32>,
    tpu.vector_store_idx %arg15[%get3A_240], %broadcast_in_dim3A_3 {add = true} : memref<10240xf32, #tpu.memory_space<vmem>>[vector<16xi32>], vector<16xf32>,
    %get3A_241 = arith.constant 16 : index
    %get3A_242 = tpu.vector_load %arg10[%get3A_241] {strides = array<i32>} : memref<80xi32, #tpu.memory_space<vmem>>, vector<16xi32>,
    tpu.vector_store_idx %arg15[%get3A_242], %broadcast_in_dim3A_3 {add = true} : memref<10240xf32, #tpu.memory_space<vmem>>[vector<16xi32>], vector<16xf32>,
    %get3A_243 = arith.constant 32 : index
    %get3A_244 = tpu.vector_load %arg10[%get3A_243] {strides = array<i32>} : memref<80xi32, #tpu.memory_space<vmem>>, vector<16xi32>,
    tpu.vector_store_idx %arg15[%get3A_244], %broadcast_in_dim3A_3 {add = true} : memref<10240xf32, #tpu.memory_space<vmem>>[vector<16xi32>], vector<16xf32>,
    %get3A_245 = arith.constant 48 : index
    %get3A_246 = tpu.vector_load %arg10[%get3A_245] {strides = array<i32>} : memref<80xi32, #tpu.memory_space<vmem>>, vector<16xi32>,
    tpu.vector_store_idx %arg15[%get3A_246], %broadcast_in_dim3A_3 {add = true} : memref<10240xf32, #tpu.memory_space<vmem>>[vector<16xi32>], vector<16xf32>,
    %get3A_247 = arith.constant 64 : index
    %get3A_248 = tpu.vector_load %arg10[%get3A_247] {strides = array<i32>} : memref<80xi32, #tpu.memory_space<vmem>>, vector<16xi32>,
    tpu.vector_store_idx %arg15[%get3A_248], %broadcast_in_dim3A_3 {add = true} : memref<10240xf32, #tpu.memory_space<vmem>>[vector<16xi32>], vector<16xf32>,
    %dma_start3A_249 = arith.constant 0 : i32
    %dma_start3A_250 = arith.constant 0 : i32
    %dma_start3A_251 = tpu.memref_slice %arg16[%dma_start3A_249, %dma_start3A_250] : memref<10240x128xf32, #tpu.memory_space<vmem_shared>> -> memref<10240x128xf32, #tpu.memory_space<vmem_shared>>
    tpu.enqueue_indirect_dma source(%arg13 : memref<80x128xf32, #tpu.memory_space<vmem>>) target(%dma_start3A_251 : memref<10240x128xf32, #tpu.memory_space<vmem_shared>>) offsets(%arg10 : memref<80xi32, #tpu.memory_space<vmem>>) semaphore(%arg20 : memref<!tpu.dma_semaphore, #tpu.memory_space<semaphore_mem>>) {add = true}
    %dma_wait3A_252 = arith.constant 0 : i32
    %dma_wait3A_253 = arith.constant 0 : i32
    %dma_wait3A_254 = tpu.memref_slice %arg16[%dma_wait3A_252, %dma_wait3A_253] : memref<10240x128xf32, #tpu.memory_space<vmem_shared>> -> memref<10240x128xf32, #tpu.memory_space<vmem_shared>>
    tpu.wait_indirect_dma semaphore(%arg20 : memref<!tpu.dma_semaphore, #tpu.memory_space<semaphore_mem>>) src(%arg13 : memref<80x128xf32, #tpu.memory_space<vmem>>) dst(%dma_wait3A_254 : memref<10240x128xf32, #tpu.memory_space<vmem_shared>>)
    %barrier3A_255 = arith.constant 0 : index
    tpu.barrier barrier_id(%barrier3A_255)
    %mul3A_256 = arith.constant 10240 : i32
    %mul3A_257 = arith.muli %add3A, %mul3A_256 : i32
    %dma_start3A_258 = tpu.memref_slice %arg5[%mul3A_257] : memref<327680xf32, #tpu.memory_space<hbm>> -> memref<10240xf32, #tpu.memory_space<hbm>>
    %dma_start3A_259 = tpu.memref_slice %arg5[%mul3A_257] : memref<327680xf32, #tpu.memory_space<hbm>> -> memref<10240xf32, #tpu.memory_space<hbm>>
    tpu.enqueue_dma source(%arg15 : memref<10240xf32, #tpu.memory_space<vmem>>) target(%dma_start3A_259 : memref<10240xf32, #tpu.memory_space<hbm>>) target_semaphore(%arg21 : memref<!tpu.dma_semaphore, #tpu.memory_space<semaphore_mem>>)
    %mul3A_260 = arith.constant 640 : i32
    %mul3A_261 = arith.muli %arg1, %mul3A_260 : i32
    %add3A_262 = arith.constant 0 : i32
    %add3A_263 = arith.addi %mul3A_261, %add3A_262 : i32
    %dma_start3A_264 = arith.constant 0 : i32
    %dma_start3A_265 = tpu.memref_slice %arg4[%arg0, %add3A_263, %dma_start3A_264] : memref<2x10240x128xf32, #tpu.memory_space<hbm>> -> memref<1x80x128xf32, #tpu.memory_space<hbm>>
    %dma_start3A_266 = tpu.memref_squeeze %dma_start3A_265 : memref<1x80x128xf32, #tpu.memory_space<hbm>> -> memref<80x128xf32, #tpu.memory_space<hbm>>
    %dma_start3A_267 = arith.constant 0 : i32
    %dma_start3A_268 = tpu.memref_slice %arg16[%add3A_263, %dma_start3A_267] : memref<10240x128xf32, #tpu.memory_space<vmem_shared>> -> memref<80x128xf32, #tpu.memory_space<vmem_shared>>
    tpu.enqueue_dma source(%dma_start3A_268 : memref<80x128xf32, #tpu.memory_space<vmem_shared>>) target(%dma_start3A_266 : memref<80x128xf32, #tpu.memory_space<hbm>>) target_semaphore(%arg21 : memref<!tpu.dma_semaphore, #tpu.memory_space<semaphore_mem>>)
    %mul3A_269 = arith.constant 640 : i32
    %mul3A_270 = arith.muli %arg1, %mul3A_269 : i32
    %add3A_271 = arith.constant 80 : i32
    %add3A_272 = arith.addi %mul3A_270, %add3A_271 : i32
    %dma_start3A_273 = arith.constant 0 : i32
    %dma_start3A_274 = tpu.memref_slice %arg4[%arg0, %add3A_272, %dma_start3A_273] : memref<2x10240x128xf32, #tpu.memory_space<hbm>> -> memref<1x80x128xf32, #tpu.memory_space<hbm>>
    %dma_start3A_275 = tpu.memref_squeeze %dma_start3A_274 : memref<1x80x128xf32, #tpu.memory_space<hbm>> -> memref<80x128xf32, #tpu.memory_space<hbm>>
    %dma_start3A_276 = arith.constant 0 : i32
    %dma_start3A_277 = tpu.memref_slice %arg16[%add3A_272, %dma_start3A_276] : memref<10240x128xf32, #tpu.memory_space<vmem_shared>> -> memref<80x128xf32, #tpu.memory_space<vmem_shared>>
    tpu.enqueue_dma source(%dma_start3A_277 : memref<80x128xf32, #tpu.memory_space<vmem_shared>>) target(%dma_start3A_275 : memref<80x128xf32, #tpu.memory_space<hbm>>) target_semaphore(%arg21 : memref<!tpu.dma_semaphore, #tpu.memory_space<semaphore_mem>>)
    %mul3A_278 = arith.constant 640 : i32
    %mul3A_279 = arith.muli %arg1, %mul3A_278 : i32
    %add3A_280 = arith.constant 160 : i32
    %add3A_281 = arith.addi %mul3A_279, %add3A_280 : i32
    %dma_start3A_282 = arith.constant 0 : i32
    %dma_start3A_283 = tpu.memref_slice %arg4[%arg0, %add3A_281, %dma_start3A_282] : memref<2x10240x128xf32, #tpu.memory_space<hbm>> -> memref<1x80x128xf32, #tpu.memory_space<hbm>>
    %dma_start3A_284 = tpu.memref_squeeze %dma_start3A_283 : memref<1x80x128xf32, #tpu.memory_space<hbm>> -> memref<80x128xf32, #tpu.memory_space<hbm>>
    %dma_start3A_285 = arith.constant 0 : i32
    %dma_start3A_286 = tpu.memref_slice %arg16[%add3A_281, %dma_start3A_285] : memref<10240x128xf32, #tpu.memory_space<vmem_shared>> -> memref<80x128xf32, #tpu.memory_space<vmem_shared>>
    tpu.enqueue_dma source(%dma_start3A_286 : memref<80x128xf32, #tpu.memory_space<vmem_shared>>) target(%dma_start3A_284 : memref<80x128xf32, #tpu.memory_space<hbm>>) target_semaphore(%arg21 : memref<!tpu.dma_semaphore, #tpu.memory_space<semaphore_mem>>)
    %mul3A_287 = arith.constant 640 : i32
    %mul3A_288 = arith.muli %arg1, %mul3A_287 : i32
    %add3A_289 = arith.constant 240 : i32
    %add3A_290 = arith.addi %mul3A_288, %add3A_289 : i32
    %dma_start3A_291 = arith.constant 0 : i32
    %dma_start3A_292 = tpu.memref_slice %arg4[%arg0, %add3A_290, %dma_start3A_291] : memref<2x10240x128xf32, #tpu.memory_space<hbm>> -> memref<1x80x128xf32, #tpu.memory_space<hbm>>
    %dma_start3A_293 = tpu.memref_squeeze %dma_start3A_292 : memref<1x80x128xf32, #tpu.memory_space<hbm>> -> memref<80x128xf32, #tpu.memory_space<hbm>>
    %dma_start3A_294 = arith.constant 0 : i32
    %dma_start3A_295 = tpu.memref_slice %arg16[%add3A_290, %dma_start3A_294] : memref<10240x128xf32, #tpu.memory_space<vmem_shared>> -> memref<80x128xf32, #tpu.memory_space<vmem_shared>>
    tpu.enqueue_dma source(%dma_start3A_295 : memref<80x128xf32, #tpu.memory_space<vmem_shared>>) target(%dma_start3A_293 : memref<80x128xf32, #tpu.memory_space<hbm>>) target_semaphore(%arg21 : memref<!tpu.dma_semaphore, #tpu.memory_space<semaphore_mem>>)
    %mul3A_296 = arith.constant 640 : i32
    %mul3A_297 = arith.muli %arg1, %mul3A_296 : i32
    %add3A_298 = arith.constant 320 : i32
    %add3A_299 = arith.addi %mul3A_297, %add3A_298 : i32
    %dma_start3A_300 = arith.constant 0 : i32
    %dma_start3A_301 = tpu.memref_slice %arg4[%arg0, %add3A_299, %dma_start3A_300] : memref<2x10240x128xf32, #tpu.memory_space<hbm>> -> memref<1x80x128xf32, #tpu.memory_space<hbm>>
    %dma_start3A_302 = tpu.memref_squeeze %dma_start3A_301 : memref<1x80x128xf32, #tpu.memory_space<hbm>> -> memref<80x128xf32, #tpu.memory_space<hbm>>
    %dma_start3A_303 = arith.constant 0 : i32
    %dma_start3A_304 = tpu.memref_slice %arg16[%add3A_299, %dma_start3A_303] : memref<10240x128xf32, #tpu.memory_space<vmem_shared>> -> memref<80x128xf32, #tpu.memory_space<vmem_shared>>
    tpu.enqueue_dma source(%dma_start3A_304 : memref<80x128xf32, #tpu.memory_space<vmem_shared>>) target(%dma_start3A_302 : memref<80x128xf32, #tpu.memory_space<hbm>>) target_semaphore(%arg21 : memref<!tpu.dma_semaphore, #tpu.memory_space<semaphore_mem>>)
    %mul3A_305 = arith.constant 640 : i32
    %mul3A_306 = arith.muli %arg1, %mul3A_305 : i32
    %add3A_307 = arith.constant 400 : i32
    %add3A_308 = arith.addi %mul3A_306, %add3A_307 : i32
    %dma_start3A_309 = arith.constant 0 : i32
    %dma_start3A_310 = tpu.memref_slice %arg4[%arg0, %add3A_308, %dma_start3A_309] : memref<2x10240x128xf32, #tpu.memory_space<hbm>> -> memref<1x80x128xf32, #tpu.memory_space<hbm>>
    %dma_start3A_311 = tpu.memref_squeeze %dma_start3A_310 : memref<1x80x128xf32, #tpu.memory_space<hbm>> -> memref<80x128xf32, #tpu.memory_space<hbm>>
    %dma_start3A_312 = arith.constant 0 : i32
    %dma_start3A_313 = tpu.memref_slice %arg16[%add3A_308, %dma_start3A_312] : memref<10240x128xf32, #tpu.memory_space<vmem_shared>> -> memref<80x128xf32, #tpu.memory_space<vmem_shared>>
    tpu.enqueue_dma source(%dma_start3A_313 : memref<80x128xf32, #tpu.memory_space<vmem_shared>>) target(%dma_start3A_311 : memref<80x128xf32, #tpu.memory_space<hbm>>) target_semaphore(%arg21 : memref<!tpu.dma_semaphore, #tpu.memory_space<semaphore_mem>>)
    %mul3A_314 = arith.constant 640 : i32
    %mul3A_315 = arith.muli %arg1, %mul3A_314 : i32
    %add3A_316 = arith.constant 480 : i32
    %add3A_317 = arith.addi %mul3A_315, %add3A_316 : i32
    %dma_start3A_318 = arith.constant 0 : i32
    %dma_start3A_319 = tpu.memref_slice %arg4[%arg0, %add3A_317, %dma_start3A_318] : memref<2x10240x128xf32, #tpu.memory_space<hbm>> -> memref<1x80x128xf32, #tpu.memory_space<hbm>>
    %dma_start3A_320 = tpu.memref_squeeze %dma_start3A_319 : memref<1x80x128xf32, #tpu.memory_space<hbm>> -> memref<80x128xf32, #tpu.memory_space<hbm>>
    %dma_start3A_321 = arith.constant 0 : i32
    %dma_start3A_322 = tpu.memref_slice %arg16[%add3A_317, %dma_start3A_321] : memref<10240x128xf32, #tpu.memory_space<vmem_shared>> -> memref<80x128xf32, #tpu.memory_space<vmem_shared>>
    tpu.enqueue_dma source(%dma_start3A_322 : memref<80x128xf32, #tpu.memory_space<vmem_shared>>) target(%dma_start3A_320 : memref<80x128xf32, #tpu.memory_space<hbm>>) target_semaphore(%arg21 : memref<!tpu.dma_semaphore, #tpu.memory_space<semaphore_mem>>)
    %mul3A_323 = arith.constant 640 : i32
    %mul3A_324 = arith.muli %arg1, %mul3A_323 : i32
    %add3A_325 = arith.constant 560 : i32
    %add3A_326 = arith.addi %mul3A_324, %add3A_325 : i32
    %dma_start3A_327 = arith.constant 0 : i32
    %dma_start3A_328 = tpu.memref_slice %arg4[%arg0, %add3A_326, %dma_start3A_327] : memref<2x10240x128xf32, #tpu.memory_space<hbm>> -> memref<1x80x128xf32, #tpu.memory_space<hbm>>
    %dma_start3A_329 = tpu.memref_squeeze %dma_start3A_328 : memref<1x80x128xf32, #tpu.memory_space<hbm>> -> memref<80x128xf32, #tpu.memory_space<hbm>>
    %dma_start3A_330 = arith.constant 0 : i32
    %dma_start3A_331 = tpu.memref_slice %arg16[%add3A_326, %dma_start3A_330] : memref<10240x128xf32, #tpu.memory_space<vmem_shared>> -> memref<80x128xf32, #tpu.memory_space<vmem_shared>>
    tpu.enqueue_dma source(%dma_start3A_331 : memref<80x128xf32, #tpu.memory_space<vmem_shared>>) target(%dma_start3A_329 : memref<80x128xf32, #tpu.memory_space<hbm>>) target_semaphore(%arg21 : memref<!tpu.dma_semaphore, #tpu.memory_space<semaphore_mem>>)
    %mul3A_332 = arith.constant 10240 : i32
    %mul3A_333 = arith.muli %add3A, %mul3A_332 : i32
    %dma_wait3A_334 = tpu.memref_slice %arg5[%mul3A_333] : memref<327680xf32, #tpu.memory_space<hbm>> -> memref<10240xf32, #tpu.memory_space<hbm>>
    %dma_wait3A_335 = tpu.memref_slice %arg5[%mul3A_333] : memref<327680xf32, #tpu.memory_space<hbm>> -> memref<10240xf32, #tpu.memory_space<hbm>>
    tpu.wait_dma2 semaphore(%arg21 : memref<!tpu.dma_semaphore, #tpu.memory_space<semaphore_mem>>) src(%arg15 : memref<10240xf32, #tpu.memory_space<vmem>>) dst(%dma_wait3A_335 : memref<10240xf32, #tpu.memory_space<hbm>>)
    %mul3A_336 = arith.constant 640 : i32
    %mul3A_337 = arith.muli %arg1, %mul3A_336 : i32
    %add3A_338 = arith.constant 0 : i32
    %add3A_339 = arith.addi %mul3A_337, %add3A_338 : i32
    %dma_wait3A_340 = arith.constant 0 : i32
    %dma_wait3A_341 = tpu.memref_slice %arg4[%arg0, %add3A_339, %dma_wait3A_340] : memref<2x10240x128xf32, #tpu.memory_space<hbm>> -> memref<1x80x128xf32, #tpu.memory_space<hbm>>
    %dma_wait3A_342 = tpu.memref_squeeze %dma_wait3A_341 : memref<1x80x128xf32, #tpu.memory_space<hbm>> -> memref<80x128xf32, #tpu.memory_space<hbm>>
    %dma_wait3A_343 = arith.constant 0 : i32
    %dma_wait3A_344 = tpu.memref_slice %arg16[%add3A_339, %dma_wait3A_343] : memref<10240x128xf32, #tpu.memory_space<vmem_shared>> -> memref<80x128xf32, #tpu.memory_space<vmem_shared>>
    tpu.wait_dma2 semaphore(%arg21 : memref<!tpu.dma_semaphore, #tpu.memory_space<semaphore_mem>>) src(%dma_wait3A_344 : memref<80x128xf32, #tpu.memory_space<vmem_shared>>) dst(%dma_wait3A_342 : memref<80x128xf32, #tpu.memory_space<hbm>>)
    %mul3A_345 = arith.constant 640 : i32
    %mul3A_346 = arith.muli %arg1, %mul3A_345 : i32
    %add3A_347 = arith.constant 80 : i32
    %add3A_348 = arith.addi %mul3A_346, %add3A_347 : i32
    %dma_wait3A_349 = arith.constant 0 : i32
    %dma_wait3A_350 = tpu.memref_slice %arg4[%arg0, %add3A_348, %dma_wait3A_349] : memref<2x10240x128xf32, #tpu.memory_space<hbm>> -> memref<1x80x128xf32, #tpu.memory_space<hbm>>
    %dma_wait3A_351 = tpu.memref_squeeze %dma_wait3A_350 : memref<1x80x128xf32, #tpu.memory_space<hbm>> -> memref<80x128xf32, #tpu.memory_space<hbm>>
    %dma_wait3A_352 = arith.constant 0 : i32
    %dma_wait3A_353 = tpu.memref_slice %arg16[%add3A_348, %dma_wait3A_352] : memref<10240x128xf32, #tpu.memory_space<vmem_shared>> -> memref<80x128xf32, #tpu.memory_space<vmem_shared>>
    tpu.wait_dma2 semaphore(%arg21 : memref<!tpu.dma_semaphore, #tpu.memory_space<semaphore_mem>>) src(%dma_wait3A_353 : memref<80x128xf32, #tpu.memory_space<vmem_shared>>) dst(%dma_wait3A_351 : memref<80x128xf32, #tpu.memory_space<hbm>>)
    %mul3A_354 = arith.constant 640 : i32
    %mul3A_355 = arith.muli %arg1, %mul3A_354 : i32
    %add3A_356 = arith.constant 160 : i32
    %add3A_357 = arith.addi %mul3A_355, %add3A_356 : i32
    %dma_wait3A_358 = arith.constant 0 : i32
    %dma_wait3A_359 = tpu.memref_slice %arg4[%arg0, %add3A_357, %dma_wait3A_358] : memref<2x10240x128xf32, #tpu.memory_space<hbm>> -> memref<1x80x128xf32, #tpu.memory_space<hbm>>
    %dma_wait3A_360 = tpu.memref_squeeze %dma_wait3A_359 : memref<1x80x128xf32, #tpu.memory_space<hbm>> -> memref<80x128xf32, #tpu.memory_space<hbm>>
    %dma_wait3A_361 = arith.constant 0 : i32
    %dma_wait3A_362 = tpu.memref_slice %arg16[%add3A_357, %dma_wait3A_361] : memref<10240x128xf32, #tpu.memory_space<vmem_shared>> -> memref<80x128xf32, #tpu.memory_space<vmem_shared>>
    tpu.wait_dma2 semaphore(%arg21 : memref<!tpu.dma_semaphore, #tpu.memory_space<semaphore_mem>>) src(%dma_wait3A_362 : memref<80x128xf32, #tpu.memory_space<vmem_shared>>) dst(%dma_wait3A_360 : memref<80x128xf32, #tpu.memory_space<hbm>>)
    %mul3A_363 = arith.constant 640 : i32
    %mul3A_364 = arith.muli %arg1, %mul3A_363 : i32
    %add3A_365 = arith.constant 240 : i32
    %add3A_366 = arith.addi %mul3A_364, %add3A_365 : i32
    %dma_wait3A_367 = arith.constant 0 : i32
    %dma_wait3A_368 = tpu.memref_slice %arg4[%arg0, %add3A_366, %dma_wait3A_367] : memref<2x10240x128xf32, #tpu.memory_space<hbm>> -> memref<1x80x128xf32, #tpu.memory_space<hbm>>
    %dma_wait3A_369 = tpu.memref_squeeze %dma_wait3A_368 : memref<1x80x128xf32, #tpu.memory_space<hbm>> -> memref<80x128xf32, #tpu.memory_space<hbm>>
    %dma_wait3A_370 = arith.constant 0 : i32
    %dma_wait3A_371 = tpu.memref_slice %arg16[%add3A_366, %dma_wait3A_370] : memref<10240x128xf32, #tpu.memory_space<vmem_shared>> -> memref<80x128xf32, #tpu.memory_space<vmem_shared>>
    tpu.wait_dma2 semaphore(%arg21 : memref<!tpu.dma_semaphore, #tpu.memory_space<semaphore_mem>>) src(%dma_wait3A_371 : memref<80x128xf32, #tpu.memory_space<vmem_shared>>) dst(%dma_wait3A_369 : memref<80x128xf32, #tpu.memory_space<hbm>>)
    %mul3A_372 = arith.constant 640 : i32
    %mul3A_373 = arith.muli %arg1, %mul3A_372 : i32
    %add3A_374 = arith.constant 320 : i32
    %add3A_375 = arith.addi %mul3A_373, %add3A_374 : i32
    %dma_wait3A_376 = arith.constant 0 : i32
    %dma_wait3A_377 = tpu.memref_slice %arg4[%arg0, %add3A_375, %dma_wait3A_376] : memref<2x10240x128xf32, #tpu.memory_space<hbm>> -> memref<1x80x128xf32, #tpu.memory_space<hbm>>
    %dma_wait3A_378 = tpu.memref_squeeze %dma_wait3A_377 : memref<1x80x128xf32, #tpu.memory_space<hbm>> -> memref<80x128xf32, #tpu.memory_space<hbm>>
    %dma_wait3A_379 = arith.constant 0 : i32
    %dma_wait3A_380 = tpu.memref_slice %arg16[%add3A_375, %dma_wait3A_379] : memref<10240x128xf32, #tpu.memory_space<vmem_shared>> -> memref<80x128xf32, #tpu.memory_space<vmem_shared>>
    tpu.wait_dma2 semaphore(%arg21 : memref<!tpu.dma_semaphore, #tpu.memory_space<semaphore_mem>>) src(%dma_wait3A_380 : memref<80x128xf32, #tpu.memory_space<vmem_shared>>) dst(%dma_wait3A_378 : memref<80x128xf32, #tpu.memory_space<hbm>>)
    %mul3A_381 = arith.constant 640 : i32
    %mul3A_382 = arith.muli %arg1, %mul3A_381 : i32
    %add3A_383 = arith.constant 400 : i32
    %add3A_384 = arith.addi %mul3A_382, %add3A_383 : i32
    %dma_wait3A_385 = arith.constant 0 : i32
    %dma_wait3A_386 = tpu.memref_slice %arg4[%arg0, %add3A_384, %dma_wait3A_385] : memref<2x10240x128xf32, #tpu.memory_space<hbm>> -> memref<1x80x128xf32, #tpu.memory_space<hbm>>
    %dma_wait3A_387 = tpu.memref_squeeze %dma_wait3A_386 : memref<1x80x128xf32, #tpu.memory_space<hbm>> -> memref<80x128xf32, #tpu.memory_space<hbm>>
    %dma_wait3A_388 = arith.constant 0 : i32
    %dma_wait3A_389 = tpu.memref_slice %arg16[%add3A_384, %dma_wait3A_388] : memref<10240x128xf32, #tpu.memory_space<vmem_shared>> -> memref<80x128xf32, #tpu.memory_space<vmem_shared>>
    tpu.wait_dma2 semaphore(%arg21 : memref<!tpu.dma_semaphore, #tpu.memory_space<semaphore_mem>>) src(%dma_wait3A_389 : memref<80x128xf32, #tpu.memory_space<vmem_shared>>) dst(%dma_wait3A_387 : memref<80x128xf32, #tpu.memory_space<hbm>>)
    %mul3A_390 = arith.constant 640 : i32
    %mul3A_391 = arith.muli %arg1, %mul3A_390 : i32
    %add3A_392 = arith.constant 480 : i32
    %add3A_393 = arith.addi %mul3A_391, %add3A_392 : i32
    %dma_wait3A_394 = arith.constant 0 : i32
    %dma_wait3A_395 = tpu.memref_slice %arg4[%arg0, %add3A_393, %dma_wait3A_394] : memref<2x10240x128xf32, #tpu.memory_space<hbm>> -> memref<1x80x128xf32, #tpu.memory_space<hbm>>
    %dma_wait3A_396 = tpu.memref_squeeze %dma_wait3A_395 : memref<1x80x128xf32, #tpu.memory_space<hbm>> -> memref<80x128xf32, #tpu.memory_space<hbm>>
    %dma_wait3A_397 = arith.constant 0 : i32
    %dma_wait3A_398 = tpu.memref_slice %arg16[%add3A_393, %dma_wait3A_397] : memref<10240x128xf32, #tpu.memory_space<vmem_shared>> -> memref<80x128xf32, #tpu.memory_space<vmem_shared>>
    tpu.wait_dma2 semaphore(%arg21 : memref<!tpu.dma_semaphore, #tpu.memory_space<semaphore_mem>>) src(%dma_wait3A_398 : memref<80x128xf32, #tpu.memory_space<vmem_shared>>) dst(%dma_wait3A_396 : memref<80x128xf32, #tpu.memory_space<hbm>>)
    %mul3A_399 = arith.constant 640 : i32
    %mul3A_400 = arith.muli %arg1, %mul3A_399 : i32
    %add3A_401 = arith.constant 560 : i32
    %add3A_402 = arith.addi %mul3A_400, %add3A_401 : i32
    %dma_wait3A_403 = arith.constant 0 : i32
    %dma_wait3A_404 = tpu.memref_slice %arg4[%arg0, %add3A_402, %dma_wait3A_403] : memref<2x10240x128xf32, #tpu.memory_space<hbm>> -> memref<1x80x128xf32, #tpu.memory_space<hbm>>
    %dma_wait3A_405 = tpu.memref_squeeze %dma_wait3A_404 : memref<1x80x128xf32, #tpu.memory_space<hbm>> -> memref<80x128xf32, #tpu.memory_space<hbm>>
    %dma_wait3A_406 = arith.constant 0 : i32
    %dma_wait3A_407 = tpu.memref_slice %arg16[%add3A_402, %dma_wait3A_406] : memref<10240x128xf32, #tpu.memory_space<vmem_shared>> -> memref<80x128xf32, #tpu.memory_space<vmem_shared>>
    tpu.wait_dma2 semaphore(%arg21 : memref<!tpu.dma_semaphore, #tpu.memory_space<semaphore_mem>>) src(%dma_wait3A_407 : memref<80x128xf32, #tpu.memory_space<vmem_shared>>) dst(%dma_wait3A_405 : memref<80x128xf32, #tpu.memory_space<hbm>>)
    return
  }
}

module attributes {stable_mosaic.version = 14 : i64} {
  func.func @_tc_pre_body(%arg0: memref<10000x128xf32, #tpu.memory_space<vmem>>, %arg1: memref<1x128xf32, #tpu.memory_space<vmem>>, %arg2: memref<128x128xf32, #tpu.memory_space<vmem>>, %arg3: memref<10000x128xf32, #tpu.memory_space<vmem>>) attributes {dimension_semantics = [], scalar_prefetch = 0 : i64, scratch_operands = 0 : i64, tpu.core_type = #tpu.core_type<tc>} {
    %get3A = arith.constant 0 : index
    %get3A_0 = arith.constant 0 : index
    %get3A_1 = vector.load %arg0[%get3A, %get3A_0] : memref<10000x128xf32, #tpu.memory_space<vmem>>, vector<10000x128xf32>
    %get3A_2 = arith.constant 0 : index
    %get3A_3 = arith.constant 0 : index
    %get3A_4 = vector.load %arg2[%get3A_2, %get3A_3] : memref<128x128xf32, #tpu.memory_space<vmem>>, vector<128x128xf32>
    %dot_general3A = arith.constant dense<0.000000e+00> : vector<10000x128xf32>
    %dot_general3A_5 = tpu.matmul %get3A_1, %get3A_4, %dot_general3A {dimension_numbers = #tpu.dot_dimension_numbers<[1], [1], [0], [0], [0, 0, 1, 0], [], []>, transpose_lhs_hint = false} : vector<10000x128xf32>, vector<128x128xf32>, vector<10000x128xf32> -> vector<10000x128xf32>
    %get3A_6 = arith.constant 0 : index
    %get3A_7 = arith.constant 0 : index
    %get3A_8 = vector.load %arg1[%get3A_6, %get3A_7] : memref<1x128xf32, #tpu.memory_space<vmem>>, vector<1x128xf32>
    %add3A = vector.broadcast %get3A_8 : vector<1x128xf32> to vector<10000x128xf32>
    %add3A_9 = arith.addf %dot_general3A_5, %add3A : vector<10000x128xf32>
    %swap3A = arith.constant 0 : index
    %swap3A_10 = arith.constant 0 : index
    %swap3A_11 = vector.load %arg3[%swap3A, %swap3A_10] : memref<10000x128xf32, #tpu.memory_space<vmem>>, vector<10000x128xf32>
    tpu.vector_store %arg3[%swap3A, %swap3A_10], %add3A_9 {strides = array<i32>} : memref<10000x128xf32, #tpu.memory_space<vmem>>, vector<10000x128xf32>,
    return
  }
}

module attributes {stable_mosaic.version = 14 : i64} {
  func.func @_tc_body(%arg0: memref<2x10240x128xf32, #tpu.memory_space<vmem>>, %arg1: memref<32x80x128xf32, #tpu.memory_space<vmem>>, %arg2: memref<10000x128xf32, #tpu.memory_space<vmem>>, %arg3: memref<10000x128xf32, #tpu.memory_space<vmem>>, %arg4: memref<128x128xf32, #tpu.memory_space<vmem>>, %arg5: memref<10000x128xf32, #tpu.memory_space<vmem>>) attributes {dimension_semantics = [], scalar_prefetch = 0 : i64, scratch_operands = 0 : i64, tpu.core_type = #tpu.core_type<tc>} {
    %get3A = arith.constant 0 : index
    %get3A_0 = arith.constant 0 : index
    %get3A_1 = arith.constant 0 : index
    %get3A_2 = vector.load %arg0[%get3A, %get3A_0, %get3A_1] : memref<2x10240x128xf32, #tpu.memory_space<vmem>>, vector<1x10240x128xf32>
    %get3A_3 = vector.shape_cast %get3A_2 : vector<1x10240x128xf32> to vector<10240x128xf32>
    %get3A_4 = arith.constant 1 : index
    %get3A_5 = arith.constant 0 : index
    %get3A_6 = arith.constant 0 : index
    %get3A_7 = vector.load %arg0[%get3A_4, %get3A_5, %get3A_6] : memref<2x10240x128xf32, #tpu.memory_space<vmem>>, vector<1x10240x128xf32>
    %get3A_8 = vector.shape_cast %get3A_7 : vector<1x10240x128xf32> to vector<10240x128xf32>
    %add3A = arith.addf %get3A_3, %get3A_8 : vector<10240x128xf32>
    %slice3A = vector.extract_strided_slice %add3A {offsets = [0, 0], sizes = [10000, 128], strides = [1, 1]} : vector<10240x128xf32> to vector<10000x128xf32>
    %get3A_9 = arith.constant 0 : index
    %get3A_10 = arith.constant 0 : index
    %get3A_11 = arith.constant 0 : index
    %get3A_12 = vector.load %arg1[%get3A_9, %get3A_10, %get3A_11] : memref<32x80x128xf32, #tpu.memory_space<vmem>>, vector<32x80x128xf32>
    %reduce_sum3A = arith.constant dense<0.000000e+00> : vector<80x128xf32>
    %reduce_sum3A_13 = vector.multi_reduction <add>, %get3A_12, %reduce_sum3A [0] : vector<32x80x128xf32> to vector<80x128xf32>
    %iota3A = tpu.iota {dimensions = array<i32: 0>} : vector<10240x80xi32>
    %shift_right_arithmetic3A = arith.constant 7 : i32
    %shift_right_arithmetic3A_14 = vector.broadcast %shift_right_arithmetic3A : i32 to vector<10240x80xi32>
    %shift_right_arithmetic3A_15 = arith.shrsi %iota3A, %shift_right_arithmetic3A_14 : vector<10240x80xi32>
    %iota3A_16 = tpu.iota {dimensions = array<i32: 1>} : vector<10240x80xi32>
    %eq3A = arith.cmpi eq, %shift_right_arithmetic3A_15, %iota3A_16 : vector<10240x80xi32>
    %iota3A_17 = tpu.iota {dimensions = array<i32: 0>} : vector<10240x128xi32>
    %and3A = arith.constant 127 : i32
    %and3A_18 = vector.broadcast %and3A : i32 to vector<10240x128xi32>
    %and3A_19 = arith.andi %iota3A_17, %and3A_18 : vector<10240x128xi32>
    %iota3A_20 = tpu.iota {dimensions = array<i32: 1>} : vector<10240x128xi32>
    %eq3A_21 = arith.cmpi eq, %and3A_19, %iota3A_20 : vector<10240x128xi32>
    %convert_element_type3A = arith.extui %eq3A : vector<10240x80xi1> to vector<10240x80xi32>
    %convert_element_type3A_22 = arith.sitofp %convert_element_type3A : vector<10240x80xi32> to vector<10240x80xf32>
    %dot_general3A = arith.constant dense<0.000000e+00> : vector<10240x128xf32>
    %dot_general3A_23 = tpu.matmul %convert_element_type3A_22, %reduce_sum3A_13, %dot_general3A {dimension_numbers = #tpu.dot_dimension_numbers<[1], [0], [0], [1], [0, 0, 1, 1], [], []>, transpose_lhs_hint = false} : vector<10240x80xf32>, vector<80x128xf32>, vector<10240x128xf32> -> vector<10240x128xf32>
    %convert_element_type3A_24 = arith.extui %eq3A_21 : vector<10240x128xi1> to vector<10240x128xi32>
    %convert_element_type3A_25 = arith.sitofp %convert_element_type3A_24 : vector<10240x128xi32> to vector<10240x128xf32>
    %mul3A = arith.mulf %dot_general3A_23, %convert_element_type3A_25 : vector<10240x128xf32>
    %reduce_sum3A_26 = arith.constant dense<0.000000e+00> : vector<10240xf32>
    %reduce_sum3A_27 = vector.multi_reduction <add>, %mul3A, %reduce_sum3A_26 [1] : vector<10240x128xf32> to vector<10240xf32>
    %broadcast_in_dim3A = vector.shape_cast %reduce_sum3A_27 : vector<10240xf32> to vector<10240x1xf32>
    %slice3A_28 = vector.extract_strided_slice %broadcast_in_dim3A {offsets = [0, 0], sizes = [10000, 1], strides = [1, 1]} : vector<10240x1xf32> to vector<10000x1xf32>
    %get3A_29 = arith.constant 0 : index
    %get3A_30 = arith.constant 0 : index
    %get3A_31 = vector.load %arg2[%get3A_29, %get3A_30] : memref<10000x128xf32, #tpu.memory_space<vmem>>, vector<10000x128xf32>
    %max3A = arith.constant 1.000000e+00 : f32
    %max3A_32 = vector.broadcast %max3A : f32 to vector<10000x1xf32>
    %max3A_33 = arith.maximumf %slice3A_28, %max3A_32 : vector<10000x1xf32>
    %div3A = vector.broadcast %max3A_33 : vector<10000x1xf32> to vector<10000x128xf32>
    %div3A_34 = arith.divf %slice3A, %div3A : vector<10000x128xf32>
    %gt3A = arith.constant 0.000000e+00 : f32
    %gt3A_35 = vector.broadcast %gt3A : f32 to vector<10000x1xf32>
    %gt3A_36 = arith.cmpf ogt, %slice3A_28, %gt3A_35 : vector<10000x1xf32>
    %convert_element_type3A_37 = arith.extui %gt3A_36 : vector<10000x1xi1> to vector<10000x1xi32>
    %convert_element_type3A_38 = arith.sitofp %convert_element_type3A_37 : vector<10000x1xi32> to vector<10000x1xf32>
    %mul3A_39 = vector.broadcast %convert_element_type3A_38 : vector<10000x1xf32> to vector<10000x128xf32>
    %mul3A_40 = arith.mulf %get3A_31, %mul3A_39 : vector<10000x128xf32>
    %sub3A = arith.subf %div3A_34, %mul3A_40 : vector<10000x128xf32>
    %get3A_41 = arith.constant 0 : index
    %get3A_42 = arith.constant 0 : index
    %get3A_43 = vector.load %arg4[%get3A_41, %get3A_42] : memref<128x128xf32, #tpu.memory_space<vmem>>, vector<128x128xf32>
    %dot_general3A_44 = arith.constant dense<0.000000e+00> : vector<10000x128xf32>
    %dot_general3A_45 = tpu.matmul %sub3A, %get3A_43, %dot_general3A_44 {dimension_numbers = #tpu.dot_dimension_numbers<[1], [1], [0], [0], [0, 0, 1, 0], [], []>, transpose_lhs_hint = false} : vector<10000x128xf32>, vector<128x128xf32>, vector<10000x128xf32> -> vector<10000x128xf32>
    %get3A_46 = arith.constant 0 : index
    %get3A_47 = arith.constant 0 : index
    %get3A_48 = vector.load %arg3[%get3A_46, %get3A_47] : memref<10000x128xf32, #tpu.memory_space<vmem>>, vector<10000x128xf32>
    %add3A_49 = arith.addf %dot_general3A_45, %get3A_48 : vector<10000x128xf32>
    %swap3A = arith.constant 0 : index
    %swap3A_50 = arith.constant 0 : index
    %swap3A_51 = vector.load %arg5[%swap3A, %swap3A_50] : memref<10000x128xf32, #tpu.memory_space<vmem>>, vector<10000x128xf32>
    tpu.vector_store %arg5[%swap3A, %swap3A_50], %add3A_49 {strides = array<i32>} : memref<10000x128xf32, #tpu.memory_space<vmem>>, vector<10000x128xf32>,
    return
  }
}

</mosaic_0001>

<sc_bundles>
// kernel: kernel.5.cloned.1.call-start
scs
__scs_entry_jumppad:
0x0: {  	(pc) =	sbr.rel $0x88, $3  }
0x1: {  	(tag) =	ssettag $0x0;
	lr =	simm.s32 $0x1  }
0x2: {  	[smem:$0x3F9C] =	sst lr;
	_ =	strace $0xD0000000  }
0x3: {  	_ = 	snop  }
0x4: {  	_ = 	snop  }
0x5: {  	_ = 	snop  }
0x6: {  	_ = 	snop  }
0x7: {  	_ = 	snop  }
__scs_overlays_trampoline_lowered:
0x8: {  	[smem:$0x3FAB] =	sst s0  }
0x9: {  	[smem:$0x3FAC] =	sst s1  }
0xa: {  	[smem:$0x3FAD] =	sst s2  }
0xb: {  	[smem:$0x3FAE] =	sst s3  }
0xc: {  	[smem:$0x3FAF] =	sst s4  }
0xd: {  	[smem:$0x3FB0] =	sst s5  }
0xe: {  	[smem:$0x3FB1] =	sst s6  }
0xf: {  	[smem:$0x3FB2] =	sst s7  }
0x10: {  	[smem:$0x3FB3] =	sst s8  }
0x11: {  	[smem:$0x3FB4] =	sst s9;
	s0 =	simm.s32 @!p0 $0x0  }
0x12: {  	s1 =	sld [smem:$0x3F9A];
	s0 =	simm.s32 @p0 $0x1  }
0x13: {  	[smem:$0x3FB5] =	sst s0;
	s0 =	simm.s32 @!p1 $0x0  }
0x14: {  	s2 =	sld [smem:$0x3F99];
	s0 =	simm.s32 @p1 $0x1  }
0x15: {  	[smem:$0x3FB6] =	sst s0;
	s0 =	simm.s32 @!p2 $0x0  }
0x16: {  	s3 =	sld [smem:$0x3FDB];
	s0 =	simm.s32 @p2 $0x1  }
0x17: {  	s4 =	simm.s32 $0x1BF5;
	[smem:$0x3FB8] =	sst s0  }
0x18: {  	s0 =	sld [smem:$0x3F9B];
	_ =	swait.ge [sflag:s4], $0x0  }
0x19: {  	s7 =	sld [smem:$0x3F9C]  }
0x1a: {  	s8 =	sadd.s32 $0xFFFFE003, lr  }
0x1b: {  	s9 =	sadd.s32 $0xFFFFFEF7, lr;
	s5 =	simm.s32 $0xFFFFFFFF;
	p2 =	slt.u32 s8, $0xFFFFF086  }
0x1c: {  	p1 =	slt.u32 s9, $0xF7A;
	s5 =	simm.s32 @!p2 $0x0  }
0x1d: {  	s5 =	simm.s32 @p1 $0x1;
	p0 =	seq.s32 s7, s2  }
0x1e: {  	s7 =	smul.u32 @!p0 $0xF7A, s2;
	p2 =	seq.s32 @!p0 s5, $0x0  }
0x1f: {  	s9 =	smul.u32 $0xF7A, s1;
	s8 =	simm.s32 @!p0 $0x1BF5;
	p2 =	por !p2, p0  }
0x20: {  	[sflag:s8] =	ssyncset.s32 @!p0 $0xFFFFF086;
	s6 =	sadd.s32 @!p0 s3, s7;
	s7 =	simm.s32 @!p0 $0x108  }
0x21: {  	s3 =	sadd.s32 s3, s9;
	s6 =	sadd.s32 @!p0 $0x88, s6;
	s7 =	simm.s32 @p2 $0x1082  }
0x22: {  	[simem:s7], [sflag:s8] =	dma.local @!p0 [hbm:s6], $0xF7A  }
0x23: {  	s9 =	sor.u32 $0xD0000000, s2;
	s6 =	simm.s32 $0x108;
	_ =	swait.ge @!p0 [sflag:s8], $0x0  }
0x24: {  	s3 =	sadd.s32 $0x88, s3;
	s6 =	simm.s32 @!p1 $0x1082;
	[sflag:s4] =	ssyncset.s32 $0xFFFFF086  }
0x25: {  	[simem:s6], [sflag:s4] =	dma.local [hbm:s3], $0xF7A  }
0x26: {  	[smem:$0x3F9C] =	sst s1;
	(tag) =	ssettag s2;
	_ =	strace s9  }
0x27: {  	s1 =	sld [smem:$0x3FAC]  }
0x28: {  	s2 =	sld [smem:$0x3FAD]  }
0x29: {  	s4 =	sld [smem:$0x3FAF]  }
0x2a: {  	p0 =	seq.s32 s5, $0x0;
	s5 =	sld [smem:$0x3FB0]  }
0x2b: {  	s6 =	sld [smem:$0x3FB1]  }
0x2c: {  	s7 =	sld [smem:$0x3FB2]  }
0x2d: {  	s3 =	simm.s32 $0x108;
	s8 =	sld [smem:$0x3FB3]  }
0x2e: {  	s3 =	simm.s32 @!p0 $0x1082;
	s9 =	sld [smem:$0x3FB4]  }
0x2f: {  	lr =	sadd.s32 s0, s3;
	s0 =	sld [smem:$0x3FAB]  }
0x30: {  	s3 =	sld [smem:$0x3FAE]  }
0x31: {  	[smem:$0x3FB7] =	sst s10  }
0x32: {  	s10 =	sld [smem:$0x3FB5];
	_ =	sdelay $0x3  }
0x33: {  	p0 =	seq.s32 s10, $0x1;
	s10 =	sld [smem:$0x3FB7];
	_ =	sdelay $0x3  }
0x34: {  	[smem:$0x3FB7] =	sst s10  }
0x35: {  	s10 =	sld [smem:$0x3FB6];
	_ =	sdelay $0x3  }
0x36: {  	p1 =	seq.s32 s10, $0x1;
	s10 =	sld [smem:$0x3FB7];
	_ =	sdelay $0x3  }
0x37: {  	[smem:$0x3FB7] =	sst s10  }
0x38: {  	s10 =	sld [smem:$0x3FB8]  }
0x39: {  	_ = 	snop;
	(pc) =	sbr.ind lr, $3  }
0x3a: {  	_ = 	snop  }
0x3b: {  	_ = 	snop  }
0x3c: {  	p2 =	seq.s32 s10, $0x1;
	s10 =	sld [smem:$0x3FB7]  }
0x3d: {  	_ =	shalt  }
0x3e: {  	_ =	shalt  }
0x3f: {  	_ =	shalt  }
0x40: {  	_ =	shalt  }
0x41: {  	_ =	shalt  }
0x42: {  	_ =	shalt  }
0x43: {  	_ =	shalt  }
0x44: {  	_ =	shalt  }
0x45: {  	_ =	shalt  }
0x46: {  	_ =	shalt  }
0x47: {  	_ =	shalt  }
0x48: {  	_ =	shalt  }
0x49: {  	_ =	shalt  }
0x4a: {  	_ =	shalt  }
0x4b: {  	_ =	shalt  }
0x4c: {  	_ =	shalt  }
0x4d: {  	_ =	shalt  }
0x4e: {  	_ =	shalt  }
0x4f: {  	_ =	shalt  }
0x50: {  	_ =	shalt  }
0x51: {  	_ =	shalt  }
0x52: {  	_ =	shalt  }
0x53: {  	_ =	shalt  }
0x54: {  	_ =	shalt  }
0x55: {  	_ =	shalt  }
0x56: {  	_ =	shalt  }
0x57: {  	_ =	shalt  }
0x58: {  	_ =	shalt  }
0x59: {  	_ =	shalt  }
0x5a: {  	_ =	shalt  }
0x5b: {  	_ =	shalt  }
0x5c: {  	_ =	shalt  }
0x5d: {  	_ =	shalt  }
0x5e: {  	_ =	shalt  }
0x5f: {  	_ =	shalt  }
0x60: {  	_ =	shalt  }
0x61: {  	_ =	shalt  }
0x62: {  	_ =	shalt  }
0x63: {  	_ =	shalt  }
0x64: {  	_ =	shalt  }
0x65: {  	_ =	shalt  }
0x66: {  	_ =	shalt  }
0x67: {  	_ =	shalt  }
0x68: {  	_ =	shalt  }
0x69: {  	_ =	shalt  }
0x6a: {  	_ =	shalt  }
0x6b: {  	_ =	shalt  }
0x6c: {  	_ =	shalt  }
0x6d: {  	_ =	shalt  }
0x6e: {  	_ =	shalt  }
0x6f: {  	_ =	shalt  }
0x70: {  	_ =	shalt  }
0x71: {  	_ =	shalt  }
0x72: {  	_ =	shalt  }
0x73: {  	_ =	shalt  }
0x74: {  	_ =	shalt  }
0x75: {  	_ =	shalt  }
0x76: {  	_ =	shalt  }
0x77: {  	_ =	shalt  }
0x78: {  	_ =	shalt  }
0x79: {  	_ =	shalt  }
0x7a: {  	_ =	shalt  }
0x7b: {  	_ =	shalt  }
0x7c: {  	_ =	shalt  }
0x7d: {  	_ =	shalt  }
0x7e: {  	_ =	shalt  }
0x7f: {  	_ =	shalt  }
0x80: {  	_ =	shalt  }
0x81: {  	_ =	shalt  }
0x82: {  	_ =	shalt  }
0x83: {  	_ =	shalt  }
0x84: {  	_ =	shalt  }
0x85: {  	_ =	shalt  }
0x86: {  	_ =	shalt  }
0x87: {  	_ =	shalt  }
.Lfunc_end0:
.L_simem_size_0:
called_computation_lowered:
.L_overlay_start_0:
0x88: {  	s2 =	sld [smem:$0x3FD9]  }
0x89: {  	s3 =	sld [smem:$0x3FFE];
	_ =	sdelay $0x1  }
0x8a: {  	s1 =	srdreg.scid  }
0x8b: {  	s0 =	sand.u32 $0x1, s1  }
0x8c: {  	s17 =	sshll.u32 s0, $0xA;
	s2 =	sadd.s32 s3, s2  }
0x8d: {  	s2 =	sadd.s32 s2, s17  }
0x8e: {  	[smem:$0x3FC3] =	sst s2  }
0x8f: {  	_ = 	snop  }
0x90: {  	s2 =	sld [smem:$0x3FC9]  }
0x91: {  	s18 =	sld [smem:$0x3FD0];
	(tm) =	ssettm $0x1  }
0x92: {  	s4 =	sld [smem:$0x3FFB];
	_ =	sdelay $0x3  }
0x93: {  	_ =	strace s4  }
0x94: {  	s4 =	sld [smem:$0x3FFC];
	_ =	sdelay $0x3  }
0x95: {  	_ =	strace s4  }
0x96: {  	s4 =	sld [smem:$0x3FFD];
	_ =	sdelay $0x3  }
0x97: {  	_ =	strace s4  }
0x98: {  	_ =	strace $0x8FFFFFFF  }
0x99: {  	s19 =	sld [smem:$0x3FDB];
	_ =	sdelay $0x1  }
0x9a: {  	s5 =	simm.s32 $_scs_section_size  }
0x9b: {  	s6 =	simm.s32 $_size__tile_overlayer_lowered;
	s7 =	simm.s32 $_tile_overlayer_lowered  }
0x9c: {  	s22 =	simm.s32 $0x1BFF;
	s21 =	sshll.u32 s7, $0x1;
	s4 =	sadd.s32 s5, s19  }
0x9d: {  	s8 =	simm.s32 $0x0;
	s20 =	sshll.u32 s6, $0x1;
	s6 =	sadd.s32 s21, s4  }
0x9e: {  	[timem:s8], [sflag:s22] =	dma.local [hbm:s6], s20  }
0x9f: {  	_ =	swait.ge [sflag:s22], s20  }
0xa0: {  	s5 =	ssub.s32 $0x0, s20;
	[sflag:s22] =	ssyncset.done $0x0  }
0xa1: {  	[sflag:s22] =	ssyncadd.s32 s5;
	_ =	sdelay $0x1  }
0xa2: {  	s23 =	simm.s32 $0x1B8B  }
0xa3: {  	_ =	swait.ge [sflag:s23], $0x1  }
0xa4: {  	[sflag:s23] =	ssyncset.done $0x0  }
0xa5: {  	s25 =	simm.s32 $0x1B8E;
	s24 =	sld [smem:$0x3FFE];
	[sflag:s23] =	ssyncadd.s32 $0xFFFFFFFF  }
0xa6: {  	s26 =	simm.s32 $execute0_lowered;
	[smem:$0x3FD2] =	sst s25  }
0xa7: {  	s6 =	sshll.u32 s26, $0x1;
	_ =	strace $0x80000046;
	[dreg:$0x1] =	wrdreg $0xFFFFFFFF  }
0xa8: {  	s28 =	simm.s32 $_size_execute0_lowered;
	s4 =	sadd.s32 s4, s6;
	[dreg:$0x0] =	wrdreg $0x0  }
0xa9: {  	s6 =	sshll.u32 s28, $0x1;
	[dreg:$0x2] =	wrdreg s4  }
0xaa: {  	[dreg:$0x3] =	wrdreg s6  }
0xab: {  	[dreg:$0x4] =	wrdreg $0xC0  }
0xac: {  	_ =	task [dreg:s8], $0x5FFFF  }
0xad: {  	[dreg:$0x1] =	wrdreg $0xFFFFFFFF  }
0xae: {  	[dreg:$0x0] =	wrdreg $0x60  }
0xaf: {  	[dreg:$0x2] =	wrdreg s2  }
0xb0: {  	[dreg:$0x3] =	wrdreg s18  }
0xb1: {  	[dreg:$0x4] =	wrdreg s24  }
0xb2: {  	[dreg:$0x5] =	wrdreg $0xA3000  }
0xb3: {  	[dreg:$0x6] =	wrdreg $0x9  }
0xb4: {  	_ =	task.clear_ibuf [dreg:s8], $0x7FFFF;
	_ =	strace $0x90000046  }
0xb5: {  	s29 =	simm.s32 $0x9;
	_ =	strace $0x80000048  }
0xb6: {  	_ =	swait.ge [sflag:s29], $0x1  }
0xb7: {  	[sflag:s29] =	ssyncadd.s32 $0xFFFFFFFF  }
0xb8: {  	_ =	strace $0x90000048  }
0xb9: {  	_ =	sfence  }
0xba: {  	s30 =	sld [smem:$0x0];
	_ =	sdelay $0x2  }
0xbb: {  	s31 =	sshll.u32 s1, $0xD;
	s1 =	sshrl.u32 s1, $0x2  }
0xbc: {  	s3 =	sand.u32 $0x4000, s31;
	s1 =	sadd.s32 s1, s30  }
0xbd: {  	s0 =	sor.u32 s3, s0;
	s1 =	sshll.u32 s1, $0x11  }
0xbe: {  	s0 =	sor.u32 s1, s0  }
0xbf: {  	s0 =	sadd.s32 $0x8F2B, s0  }
0xc0: {  	[sflag:s0] =	ssyncadd.remote.s32 $0x1  }
0xc1: {  	_ =	sfence.sel $0xFFFF  }
0xc2: {  	[dreg:$0x0] =	wrdreg $0xFFFFFFFF;
	(pc) =	sbr.abs _section_cstart, $3  }
0xc3: {  	[dreg:$0x1] =	wrdreg $0xFFFFFFFF  }
0xc4: {  	_ =	task.clear_ibuf [dreg:s8], $0x2FFFF;
	_ =	strace $0x9FFFFFFF  }
0xc5: {  	(tm) =	ssettm $0x7FFFFFFF  }
tec
execute0_lowered:
.L_overlay_start_1:
0x0: {  	(tag) =	ssettag $0x1  }
0x1: {  	s0 =	rddreg [dreg:$0x0]  }
0x2: {  	s1 =	rddreg [dreg:$0x1]  }
0x3: {  	s2 =	srdreg.scid;
	s3 =	rddreg [dreg:$0x2]  }
0x4: {  	s4 =	rddreg [dreg:$0x3];
	s20 =	stileid.u32  }
0x5: {  	s5 =	simm.s32 $0x0;
	s31 =	simm.s32 $0x300;
	s28 =	simm.s32 $0x7B00  }
0x6: {  	s29 =	simm.s32 $0x2;
	s30 =	simm.s32 $0x9;
	s10 =	smul.u32 $0x14000, s20  }
0x7: {  	s7 =	sand.u32 $0x1, s2;
	[smem:$0x7FF] =	sst s5;
	s24 =	smul.u32 $0x2710, s20  }
0x8: {  	s11 =	sadd.s32 $0x1A00, s3;
	s2 =	sshll.u32 s7, $0x4;
	s12 =	smul.u32 $0x140000, s7  }
0x9: {  	s8 =	ssub.s32 $0x2, s7;
	_ =	strace $0x80000047;
	s7 =	smul.u32 $0x27100, s7  }
0xa: {  	s6 =	sor.u32 s20, s2;
	s9 =	sshrl.u32 s8, $0x1;
	s13 =	sadd.s32 $0x7800, s10  }
0xb: {  	s14 =	sadd.s32 $0xA000, s10;
	s15 =	sadd.s32 $0xC800, s10;
	s16 =	sadd.s32 $0xF000, s10  }
0xc: {  	s17 =	sadd.s32 $0x11800, s10;
	s2 =	smul.u32 $0x500, s6;
	s19 =	sadd.s32 s12, s13  }
0xd: {  	s7 =	sadd.s32 s24, s7;
	s6 =	smul.u32 $0x2710, s6;
	s13 =	sadd.s32 s13, s4  }
0xe: {  	s19 =	sshrl.u32 s19, $0x3;
	s21 =	sadd.s32 $0x4E340, s7;
	[dreg:$0x14] =	wrdreg s13  }
0xf: {  	s13 =	simm.s32 $0x280;
	s2 =	sadd.s32 s2, s3;
	s3 =	ssub.s32 s8, s9  }
0x10: {  	s8 =	sor.u32 $0x2800, s10;
	s9 =	sadd.s32 $0x5000, s10;
	s10 =	sadd.s32 s10, s12  }
0x11: {  	s26 =	sadd.s32 s11, s19;
	s19 =	sadd.s32 s12, s14;
	s14 =	sadd.s32 s14, s4  }
0x12: {  	s6 =	sshrl.u32 s6, $0x3;
	s10 =	sshrl.u32 s10, $0x3;
	[dreg:$0xd] =	wrdreg s26  }
0x13: {  	s18 =	sadd.s32 s12, s8;
	s25 =	sadd.s32 s12, s9;
	[dreg:$0x15] =	wrdreg s14  }
0x14: {  	s6 =	sadd.s32 s1, s6;
	s2 =	sadd.s32 $0x51A00, s2;
	s14 =	simm.s32 $0xA  }
0x15: {  	s10 =	sadd.s32 s11, s10;
	s23 =	sshrl.u32 s18, $0x3;
	[dreg:$0x1a] =	wrdreg s2  }
0x16: {  	s18 =	sadd.s32 $0x140, s7;
	[dreg:$0x19] =	wrdreg s6;
	s2 =	simm.s32 $0x5  }
0x17: {  	[dreg:$0xa] =	wrdreg s10;
	s10 =	sadd.s32 s11, s23;
	s23 =	sadd.s32 $0x4E2F0, s7  }
0x18: {  	[dreg:$0xb] =	wrdreg s10;
	s10 =	sshrl.u32 s25, $0x3;
	s24 =	sshrl.u32 s23, $0x3  }
0x19: {  	s25 =	sadd.s32 $0x190, s7;
	s23 =	sadd.s32 $0x4E2A0, s7;
	s10 =	sadd.s32 s11, s10  }
0x1a: {  	[dreg:$0xc] =	wrdreg s10;
	s10 =	sshrl.u32 s18, $0x3;
	s18 =	sshrl.u32 s19, $0x3  }
0x1b: {  	s19 =	sshrl.u32 s21, $0x3;
	s21 =	sadd.s32 s12, s16;
	s16 =	sadd.s32 s16, s4  }
0x1c: {  	s26 =	sshrl.u32 s25, $0x3;
	s10 =	sadd.s32 s10, s1;
	[dreg:$0x17] =	wrdreg s16  }
0x1d: {  	s22 =	sadd.s32 s19, s1;
	s18 =	sadd.s32 s11, s18;
	[dreg:$0x5] =	wrdreg s10  }
0x1e: {  	s19 =	sadd.s32 s12, s15;
	s12 =	sadd.s32 s12, s17;
	[dreg:$0x6] =	wrdreg s22  }
0x1f: {  	s15 =	sadd.s32 s15, s4;
	[dreg:$0xe] =	wrdreg s18;
	s10 =	sadd.s32 s24, s1  }
0x20: {  	s18 =	sadd.s32 s26, s1;
	s22 =	sshrl.u32 s21, $0x3;
	[dreg:$0x16] =	wrdreg s15  }
0x21: {  	s24 =	smul.u32 $0x50000, s20;
	s25 =	sshrl.u32 s12, $0x3;
	[dreg:$0x7] =	wrdreg s10  }
0x22: {  	s20 =	sadd.s32 s8, s4;
	s12 =	sadd.s32 s9, s4;
	[dreg:$0x8] =	wrdreg s18  }
0x23: {  	s21 =	smax.u32 s3, $0x1;
	s3 =	simm.s32 $0x80;
	[dreg:$0x13] =	wrdreg s12  }
0x24: {  	s8 =	simm.s32 $0x200;
	s10 =	sshrl.u32 s19, $0x3;
	[dreg:$0x1b] =	wrdreg s21  }
0x25: {  	s18 =	sshrl.u32 s23, $0x3;
	s23 =	sadd.s32 $0xA, s6;
	[dreg:$0x12] =	wrdreg s20  }
0x26: {  	s9 =	simm.s32 $0x50;
	s10 =	sadd.s32 s11, s10;
	[dreg:$0x1d] =	wrdreg s23  }
0x27: {  	s15 =	simm.s32 $0x0;
	s26 =	sadd.s32 s18, s1;
	[dreg:$0xf] =	wrdreg s10  }
0x28: {  	s12 =	simm.s32 $0x1;
	s18 =	sadd.s32 s17, s4;
	[dreg:$0x9] =	wrdreg s26  }
0x29: {  	s23 =	simm.s32 $0x7;
	s10 =	sadd.s32 s11, s22;
	[dreg:$0x18] =	wrdreg s18  }
0x2a: {  	s22 =	sadd.s32 $0xF0, s7;
	s26 =	sadd.s32 $0x9C4A, s6;
	[dreg:$0x10] =	wrdreg s10  }
0x2b: {  	s7 =	simm.s32 $0x180;
	s10 =	sadd.s32 s11, s25;
	[dreg:$0x1c] =	wrdreg s22  }
0x2c: {  	s11 =	sshrl.u32 s24, $0x2;
	s24 =	sadd.s32 $0x14, s6;
	[smem:$0x7FD] =	sst s26  }
0x2d: {  	s25 =	sadd.s32 $0x9C40, s6;
	s6 =	simm.s32 $0x100;
	[dreg:$0x11] =	wrdreg s10  }
0x2e: {  	s26 =	simm.s32 $0x8;
	s22 =	simm.s32 $0x3;
	[dreg:$0x1e] =	wrdreg s24  }
0x2f: {  	s19 =	sadd.s32 s11, s4;
	[dreg:$0x1f] =	wrdreg s25;
	s10 =	simm.s32 $0x6  }
0x30: {  	v0 =	vimm.f32 $0.0e+00;
	v1 =	vimm.f32 $1.000000000e+00;
	s11 =	simm.s32 $0x2B00;
	s24 =	simm.s32 $0x5300;
	s25 =	simm.s32 $0x4  }
.LBB2_1:
0x31: {  	s16 =	simm.s32 $0x0  }
.LBB2_2:
0x32: {  	p0 =	sne.s32 s16, $0x9FC0  }
.Ltmp0:
0x33: {  	_ = 	snop;
	(pc) =	sbr.rel @p0 .LBB2_2-.Ltmp0, $3  }
0x34: {  	_ =	sdelay $0x1  }
0x35: {  	s17 =	sshra.s32 s16, $0x2  }
0x36: {  	s16 =	sadd.s32 $0x40, s16;
	[tilespmem:s17+$0x7B00] =	vst v0  }
0x37: {  	s16 =	simm.s32 $0x0;
	s17 =	simm.s32 $0x200  }
.LBB2_4:
0x38: {  	p0 =	sne.s32 s17, $0x9E00;
	[tilespmem:s16+$0x370] =	vst v0  }
0x39: {  	[tilespmem:s16+$0x300] =	vst v0  }
0x3a: {  	[tilespmem:s16+$0x310] =	vst v0  }
.Ltmp1:
0x3b: {  	[tilespmem:s16+$0x320] =	vst v0;
	(pc) =	sbr.rel @p0 .LBB2_4-.Ltmp1, $4  }
0x3c: {  	[tilespmem:s16+$0x330] =	vst v0  }
0x3d: {  	[tilespmem:s16+$0x340] =	vst v0  }
0x3e: {  	[tilespmem:s16+$0x350] =	vst v0  }
0x3f: {  	[tilespmem:s16+$0x360] =	vst v0;
	s16 =	sshra.s32 s17, $0x2;
	s17 =	sadd.s32 $0x200, s17  }
0x40: {  	[tilespmem:s16+$0x370] =	vst v0  }
0x41: {  	[tilespmem:s16+$0x300] =	vst v0  }
0x42: {  	[tilespmem:s16+$0x310] =	vst v0  }
0x43: {  	[tilespmem:s16+$0x320] =	vst v0  }
0x44: {  	[tilespmem:s16+$0x330] =	vst v0  }
0x45: {  	[tilespmem:s16+$0x340] =	vst v0  }
0x46: {  	[tilespmem:s16+$0x350] =	vst v0  }
0x47: {  	[tilespmem:s16+$0x360] =	vst v0  }
0x48: {  	[spmem:s19] =	stream.linear.scatter [tilespmem:s31], [sflag:$0x5], $0x2800, $0x38;
	[tilespmem:$0x1E300] =	vst v63  }
0x49: {  	_ = 	snop  }
0x4a: {  	[spmem:s20] =	stream.linear.scatter [tilespmem:s31], [sflag:$0x5], $0x2800, $0x38;
	[tilespmem:$0x1E300] =	vst v63  }
0x4b: {  	s18 =	rddreg [dreg:$0x13]  }
0x4c: {  	[spmem:s18] =	stream.linear.scatter [tilespmem:s31], [sflag:$0x5], $0x2800, $0x38;
	[tilespmem:$0x1E300] =	vst v63  }
0x4d: {  	s21 =	smov.u32 s19;
	s19 =	rddreg [dreg:$0x14]  }
0x4e: {  	[spmem:s19] =	stream.linear.scatter [tilespmem:s31], [sflag:$0x5], $0x2800, $0x38;
	[tilespmem:$0x1E300] =	vst v63  }
0x4f: {  	s20 =	rddreg [dreg:$0x15]  }
0x50: {  	[spmem:s20] =	stream.linear.scatter [tilespmem:s31], [sflag:$0x5], $0x2800, $0x38;
	[tilespmem:$0x1E300] =	vst v63  }
0x51: {  	s17 =	rddreg [dreg:$0x16]  }
0x52: {  	[spmem:s17] =	stream.linear.scatter [tilespmem:s31], [sflag:$0x5], $0x2800, $0x38;
	[tilespmem:$0x1E300] =	vst v63  }
0x53: {  	s18 =	rddreg [dreg:$0x17]  }
0x54: {  	[spmem:s18] =	stream.linear.scatter [tilespmem:s31], [sflag:$0x5], $0x2800, $0x38;
	[tilespmem:$0x1E300] =	vst v63  }
0x55: {  	s19 =	rddreg [dreg:$0x18]  }
0x56: {  	[spmem:s19] =	stream.linear.scatter [tilespmem:s31], [sflag:$0x5], $0x2800, $0x38;
	[tilespmem:$0x1E300] =	vst v63  }
0x57: {  	_ =	swait.ge [sflag:s2], $0x2800  }
0x58: {  	[sflag:s2] =	ssyncset.done $0x0  }
0x59: {  	[sflag:s2] =	ssyncadd.s32 $0xFFFFD800  }
0x5a: {  	_ =	swait.ge [sflag:s2], $0x2800  }
0x5b: {  	[sflag:s2] =	ssyncset.done $0x0  }
0x5c: {  	[sflag:s2] =	ssyncadd.s32 $0xFFFFD800  }
0x5d: {  	_ =	swait.ge [sflag:s2], $0x2800  }
0x5e: {  	[sflag:s2] =	ssyncset.done $0x0  }
0x5f: {  	[sflag:s2] =	ssyncadd.s32 $0xFFFFD800  }
0x60: {  	_ =	swait.ge [sflag:s2], $0x2800  }
0x61: {  	[sflag:s2] =	ssyncset.done $0x0  }
0x62: {  	[sflag:s2] =	ssyncadd.s32 $0xFFFFD800  }
0x63: {  	_ =	swait.ge [sflag:s2], $0x2800  }
0x64: {  	[sflag:s2] =	ssyncset.done $0x0  }
0x65: {  	[sflag:s2] =	ssyncadd.s32 $0xFFFFD800  }
0x66: {  	_ =	swait.ge [sflag:s2], $0x2800  }
0x67: {  	[sflag:s2] =	ssyncset.done $0x0  }
0x68: {  	[sflag:s2] =	ssyncadd.s32 $0xFFFFD800  }
0x69: {  	_ =	swait.ge [sflag:s2], $0x2800  }
0x6a: {  	[sflag:s2] =	ssyncset.done $0x0  }
0x6b: {  	[sflag:s2] =	ssyncadd.s32 $0xFFFFD800  }
0x6c: {  	_ =	swait.ge [sflag:s2], $0x2800  }
0x6d: {  	[sflag:s2] =	ssyncset.done $0x0  }
0x6e: {  	[sflag:s2] =	ssyncadd.s32 $0xFFFFD800  }
0x6f: {  	[bflag:$0x0] =	sbarrier.arrive $0xFFFF  }
0x70: {  	s17 =	rddreg [dreg:$0x19]  }
0x71: {  	s16 =	simm.s32 $0x0;
	s20 =	rddreg [dreg:$0x1d]  }
0x72: {  	[tilespmem:s16], [sflag:$0x5] =	stream.linear.gather [hbm4b:s17+s16], $0x50, $0x38;
	[tilespmem:$0x1E300] =	vst v63  }
0x73: {  	s18 =	rddreg [dreg:$0x1e]  }
0x74: {  	[tilespmem:s3], [sflag:$0x6] =	stream.linear.gather [hbm4b:s20+s16], $0x50, $0x38;
	[tilespmem:$0x1E300] =	vst v63  }
0x75: {  	s19 =	rddreg [dreg:$0x1f]  }
0x76: {  	[tilespmem:s6], [sflag:$0x7] =	stream.linear.gather [hbm4b:s18+s16], $0x50, $0x38;
	[tilespmem:$0x1E300] =	vst v63  }
0x77: {  	s20 =	sld [smem:$0x7FD]  }
0x78: {  	[tilespmem:s7], [sflag:$0x8] =	stream.linear.gather [hbm4b:s19+s16], $0x50, $0x38;
	[tilespmem:$0x1E300] =	vst v63  }
0x79: {  	_ = 	snop  }
0x7a: {  	[tilespmem:s8], [sflag:$0x9] =	stream.linear.gather [hbm4b:s20+s16], $0x50, $0x38;
	[tilespmem:$0x1E300] =	vst v63  }
0x7b: {  	_ =	swait.ge [sflag:s2], $0x50  }
0x7c: {  	[sflag:s2] =	ssyncset.done $0x0  }
0x7d: {  	[sflag:s2] =	ssyncadd.s32 $0xFFFFFFB0  }
0x7e: {  	[tilespmem:s31], [sflag:$0x1] =	stream.indirect.gather [hbm4b:s0+s9], $0x80, s16, s9, $0xb8;
	[tilespmem:$0x1E300] =	vst v63  }
0x7f: {  	_ =	swait.ge [sflag:s10], $0x50  }
0x80: {  	[sflag:s10] =	ssyncset.done $0x0  }
0x81: {  	s17 =	rddreg [dreg:$0x1c];
	[sflag:s10] =	ssyncadd.s32 $0xFFFFFFB0  }
0x82: {  	[tilespmem:s11], [sflag:$0x2] =	stream.indirect.gather [hbm4b:s0+s9], $0x80, s3, s9, $0xb8;
	[tilespmem:$0x1E300] =	vst v63  }
.LBB2_6:
0x83: {  	_ =	swait.ge [sflag:s12], $0x2800  }
0x84: {  	p0 =	seq.s32 s16, $0x0;
	[sflag:s12] =	ssyncset.done $0x0  }
0x85: {  	s18 =	simm.s32 @!p0 $0x4;
	[sflag:s12] =	ssyncadd.s32 $0xFFFFD800  }
0x86: {  	_ =	swait.ge @!p0 [sflag:s18], $0x2800  }
0x87: {  	s19 =	rddreg [dreg:$0x9];
	[sflag:s18] =	ssyncset.done @!p0 $0x0  }
0x88: {  	[sflag:s18] =	ssyncadd.s32 @!p0 $0xFFFFD800;
	s20 =	sadd.s32 s16, s19  }
0x89: {  	[tilespmem:s13], [sflag:$0xA] =	stream.linear.gather [hbm4b:s20+s5], $0x50, $0x38;
	[tilespmem:$0x1E300] =	vst v63  }
0x8a: {  	_ =	swait.ge [sflag:s23], $0x50  }
0x8b: {  	[sflag:s23] =	ssyncset.done $0x0  }
0x8c: {  	s19 =	sshrl.u32 s17, $0x3;
	[sflag:s23] =	ssyncadd.s32 $0xFFFFFFB0  }
0x8d: {  	[tilespmem:s24], [sflag:$0x3] =	stream.indirect.gather [hbm4b:s0+s9], $0x80, s6, s9, $0xb8;
	[tilespmem:$0x1E300] =	vst v63  }
0x8e: {  	s18 =	sadd.s32 s1, s19  }
0x8f: {  	[tilespmem:s5], [sflag:$0x5] =	stream.linear.gather [hbm4b:s18+s5], $0x50, $0x38;
	[tilespmem:$0x1E300] =	vst v63  }
0x90: {  	_ =	swait.ge [sflag:s26], $0x50  }
0x91: {  	[sflag:s26] =	ssyncset.done $0x0  }
0x92: {  	[sflag:s26] =	ssyncadd.s32 $0xFFFFFFB0  }
0x93: {  	v2 =	vld [tilespmem:$0x180];
	_ =	sdelay $0x7  }
0x94: {  	[tilespmem:v2+s28+$0x0] =	vst.idx.add.f32.msk $0xffff, v1  }
0x95: {  	v2 =	vld [tilespmem:$0x190];
	_ =	sdelay $0x7  }
0x96: {  	[tilespmem:v2+s28+$0x0] =	vst.idx.add.f32.msk $0xffff, v1  }
0x97: {  	v2 =	vld [tilespmem:$0x1A0];
	_ =	sdelay $0x7  }
0x98: {  	[tilespmem:v2+s28+$0x0] =	vst.idx.add.f32.msk $0xffff, v1  }
0x99: {  	v2 =	vld [tilespmem:$0x1B0];
	_ =	sdelay $0x7  }
0x9a: {  	[tilespmem:v2+s28+$0x0] =	vst.idx.add.f32.msk $0xffff, v1  }
0x9b: {  	v2 =	vld [tilespmem:$0x1C0];
	_ =	sdelay $0x7  }
0x9c: {  	[tilespmem:v2+s28+$0x0] =	vst.idx.add.f32.msk $0xffff, v1  }
0x9d: {  	[spmem:s4] =	stream.indirect.scatter.add.f32 [tilespmem:s31], [sflag:$0x4], $0x80, s7, s9, $0xb8;
	[tilespmem:$0x1E300] =	vst v63  }
0x9e: {  	_ =	swait.ge [sflag:s29], $0x2800  }
0x9f: {  	[sflag:s29] =	ssyncset.done $0x0  }
0xa0: {  	[sflag:s29] =	ssyncadd.s32 $0xFFFFD800  }
0xa1: {  	_ =	swait.ge [sflag:s25], $0x2800  }
0xa2: {  	s20 =	rddreg [dreg:$0x7];
	[sflag:s25] =	ssyncset.done $0x0  }
0xa3: {  	[sflag:s25] =	ssyncadd.s32 $0xFFFFD800;
	s18 =	sadd.s32 s16, s20  }
0xa4: {  	[tilespmem:s7], [sflag:$0x8] =	stream.linear.gather [hbm4b:s18+s5], $0x50, $0x38;
	[tilespmem:$0x1E300] =	vst v63  }
0xa5: {  	_ =	swait.ge [sflag:s2], $0x50  }
0xa6: {  	[sflag:s2] =	ssyncset.done $0x0  }
0xa7: {  	s19 =	rddreg [dreg:$0x5];
	[sflag:s2] =	ssyncadd.s32 $0xFFFFFFB0  }
0xa8: {  	[tilespmem:s31], [sflag:$0x1] =	stream.indirect.gather [hbm4b:s0+s9], $0x80, s5, s9, $0xb8;
	[tilespmem:$0x1E300] =	vst v63  }
0xa9: {  	s18 =	sadd.s32 s16, s19  }
0xaa: {  	[tilespmem:s3], [sflag:$0x6] =	stream.linear.gather [hbm4b:s18+s5], $0x50, $0x38;
	[tilespmem:$0x1E300] =	vst v63  }
0xab: {  	_ =	swait.ge [sflag:s30], $0x50  }
0xac: {  	[sflag:s30] =	ssyncset.done $0x0  }
0xad: {  	[sflag:s30] =	ssyncadd.s32 $0xFFFFFFB0  }
0xae: {  	v2 =	vld [tilespmem:$0x200];
	_ =	sdelay $0x7  }
0xaf: {  	[tilespmem:v2+s28+$0x0] =	vst.idx.add.f32.msk $0xffff, v1  }
0xb0: {  	v2 =	vld [tilespmem:$0x210];
	_ =	sdelay $0x7  }
0xb1: {  	[tilespmem:v2+s28+$0x0] =	vst.idx.add.f32.msk $0xffff, v1  }
0xb2: {  	v2 =	vld [tilespmem:$0x220];
	_ =	sdelay $0x7  }
0xb3: {  	[tilespmem:v2+s28+$0x0] =	vst.idx.add.f32.msk $0xffff, v1  }
0xb4: {  	v2 =	vld [tilespmem:$0x230];
	_ =	sdelay $0x7  }
0xb5: {  	[tilespmem:v2+s28+$0x0] =	vst.idx.add.f32.msk $0xffff, v1  }
0xb6: {  	v2 =	vld [tilespmem:$0x240];
	_ =	sdelay $0x7  }
0xb7: {  	[tilespmem:v2+s28+$0x0] =	vst.idx.add.f32.msk $0xffff, v1  }
0xb8: {  	[spmem:s4] =	stream.indirect.scatter.add.f32 [tilespmem:s11], [sflag:$0x4], $0x80, s8, s9, $0xb8;
	[tilespmem:$0x1E300] =	vst v63  }
0xb9: {  	_ =	swait.ge [sflag:s22], $0x2800  }
0xba: {  	[sflag:s22] =	ssyncset.done $0x0  }
0xbb: {  	[sflag:s22] =	ssyncadd.s32 $0xFFFFD800  }
0xbc: {  	_ =	swait.ge [sflag:s25], $0x2800  }
0xbd: {  	s20 =	rddreg [dreg:$0x6];
	[sflag:s25] =	ssyncset.done $0x0  }
0xbe: {  	[sflag:s25] =	ssyncadd.s32 $0xFFFFD800;
	s18 =	sadd.s32 s16, s20  }
0xbf: {  	[tilespmem:s8], [sflag:$0x9] =	stream.linear.gather [hbm4b:s18+s5], $0x50, $0x38;
	[tilespmem:$0x1E300] =	vst v63  }
0xc0: {  	_ =	swait.ge [sflag:s10], $0x50  }
0xc1: {  	[sflag:s10] =	ssyncset.done $0x0  }
0xc2: {  	p0 =	seq.s32 s16, $0x4B0;
	s18 =	rddreg [dreg:$0x8];
	[sflag:s10] =	ssyncadd.s32 $0xFFFFFFB0  }
0xc3: {  	[tilespmem:s11], [sflag:$0x2] =	stream.indirect.gather [hbm4b:s0+s9], $0x80, s3, s9, $0xb8;
	[tilespmem:$0x1E300] =	vst v63  }
0xc4: {  	s19 =	simm.s32 @!p0 $0x0;
	s20 =	simm.s32 @!p0 $0x100;
	s18 =	sadd.s32 @!p0 s16, s18  }
0xc5: {  	[tilespmem:s20], [sflag:$0x7] =	stream.linear.gather @!p0 [hbm4b:s18+s19], $0x50, $0x38;
	[tilespmem:$0x1E300] =	vst v63  }
0xc6: {  	_ =	swait.ge [sflag:s14], $0x50  }
0xc7: {  	[sflag:s14] =	ssyncset.done $0x0  }
0xc8: {  	[sflag:s14] =	ssyncadd.s32 $0xFFFFFFB0  }
0xc9: {  	v2 =	vld [tilespmem:$0x280];
	_ =	sdelay $0x7  }
0xca: {  	[tilespmem:v2+s28+$0x0] =	vst.idx.add.f32.msk $0xffff, v1  }
0xcb: {  	v2 =	vld [tilespmem:$0x290];
	_ =	sdelay $0x7  }
0xcc: {  	[tilespmem:v2+s28+$0x0] =	vst.idx.add.f32.msk $0xffff, v1  }
0xcd: {  	v2 =	vld [tilespmem:$0x2A0];
	_ =	sdelay $0x7  }
0xce: {  	[tilespmem:v2+s28+$0x0] =	vst.idx.add.f32.msk $0xffff, v1  }
0xcf: {  	v2 =	vld [tilespmem:$0x2B0];
	_ =	sdelay $0x7  }
0xd0: {  	[tilespmem:v2+s28+$0x0] =	vst.idx.add.f32.msk $0xffff, v1  }
0xd1: {  	v2 =	vld [tilespmem:$0x2C0];
	_ =	sdelay $0x2  }
0xd2: {  	s16 =	sadd.s32 $0x1E, s16  }
0xd3: {  	p0 =	sne.s32 s16, $0x4CE  }
.Ltmp2:
0xd4: {  	_ = 	snop;
	(pc) =	sbr.rel @p0 .LBB2_6-.Ltmp2, $3  }
0xd5: {  	_ =	sdelay $0x1  }
0xd6: {  	s17 =	sadd.s32 $0xF0, s17;
	[tilespmem:v2+s28+$0x0] =	vst.idx.add.f32.msk $0xffff, v1  }
0xd7: {  	[spmem:s4] =	stream.indirect.scatter.add.f32 [tilespmem:s24], [sflag:$0x4], $0x80, s13, s9, $0xb8;
	[tilespmem:$0x1E300] =	vst v63  }
0xd8: {  	_ =	swait.ge [sflag:s12], $0x2800  }
0xd9: {  	[sflag:s12] =	ssyncset.done $0x0  }
0xda: {  	[sflag:s12] =	ssyncadd.s32 $0xFFFFD800  }
0xdb: {  	_ =	swait.ge [sflag:s25], $0x2800  }
0xdc: {  	[sflag:s25] =	ssyncset.done $0x0  }
0xdd: {  	[sflag:s25] =	ssyncadd.s32 $0xFFFFD800  }
0xde: {  	_ =	swait.ge [sflag:s26], $0x50  }
0xdf: {  	[sflag:s26] =	ssyncset.done $0x0  }
0xe0: {  	[sflag:s26] =	ssyncadd.s32 $0xFFFFFFB0  }
0xe1: {  	v2 =	vld [tilespmem:$0x180];
	_ =	sdelay $0x7  }
0xe2: {  	[tilespmem:v2+s28+$0x0] =	vst.idx.add.f32.msk $0xffff, v1  }
0xe3: {  	v2 =	vld [tilespmem:$0x190];
	_ =	sdelay $0x7  }
0xe4: {  	[tilespmem:v2+s28+$0x0] =	vst.idx.add.f32.msk $0xffff, v1  }
0xe5: {  	v2 =	vld [tilespmem:$0x1A0];
	_ =	sdelay $0x7  }
0xe6: {  	[tilespmem:v2+s28+$0x0] =	vst.idx.add.f32.msk $0xffff, v1  }
0xe7: {  	v2 =	vld [tilespmem:$0x1B0];
	_ =	sdelay $0x7  }
0xe8: {  	[tilespmem:v2+s28+$0x0] =	vst.idx.add.f32.msk $0xffff, v1  }
0xe9: {  	v2 =	vld [tilespmem:$0x1C0];
	_ =	sdelay $0x7  }
0xea: {  	[tilespmem:v2+s28+$0x0] =	vst.idx.add.f32.msk $0xffff, v1  }
0xeb: {  	[spmem:s4] =	stream.indirect.scatter.add.f32 [tilespmem:s31], [sflag:$0x4], $0x80, s7, s9, $0xb8;
	[tilespmem:$0x1E300] =	vst v63  }
0xec: {  	_ =	swait.ge [sflag:s29], $0x2800  }
0xed: {  	[sflag:s29] =	ssyncset.done $0x0  }
0xee: {  	[sflag:s29] =	ssyncadd.s32 $0xFFFFD800  }
0xef: {  	_ =	swait.ge [sflag:s25], $0x2800  }
0xf0: {  	[sflag:s25] =	ssyncset.done $0x0  }
0xf1: {  	[sflag:s25] =	ssyncadd.s32 $0xFFFFD800  }
0xf2: {  	_ =	swait.ge [sflag:s30], $0x50  }
0xf3: {  	[sflag:s30] =	ssyncset.done $0x0  }
0xf4: {  	[sflag:s30] =	ssyncadd.s32 $0xFFFFFFB0  }
0xf5: {  	v2 =	vld [tilespmem:$0x200];
	_ =	sdelay $0x7  }
0xf6: {  	[tilespmem:v2+s28+$0x0] =	vst.idx.add.f32.msk $0xffff, v1  }
0xf7: {  	v2 =	vld [tilespmem:$0x210];
	_ =	sdelay $0x7  }
0xf8: {  	[tilespmem:v2+s28+$0x0] =	vst.idx.add.f32.msk $0xffff, v1  }
0xf9: {  	v2 =	vld [tilespmem:$0x220];
	_ =	sdelay $0x7  }
0xfa: {  	[tilespmem:v2+s28+$0x0] =	vst.idx.add.f32.msk $0xffff, v1  }
0xfb: {  	v2 =	vld [tilespmem:$0x230];
	_ =	sdelay $0x7  }
0xfc: {  	[tilespmem:v2+s28+$0x0] =	vst.idx.add.f32.msk $0xffff, v1  }
0xfd: {  	v2 =	vld [tilespmem:$0x240];
	_ =	sdelay $0x7  }
0xfe: {  	[tilespmem:v2+s28+$0x0] =	vst.idx.add.f32.msk $0xffff, v1  }
0xff: {  	[spmem:s4] =	stream.indirect.scatter.add.f32 [tilespmem:s11], [sflag:$0x4], $0x80, s8, s9, $0xb8;
	[tilespmem:$0x1E300] =	vst v63  }
0x100: {  	_ =	swait.ge [sflag:s25], $0x2800  }
0x101: {  	[sflag:s25] =	ssyncset.done $0x0  }
0x102: {  	[sflag:s25] =	ssyncadd.s32 $0xFFFFD800  }
0x103: {  	[bflag:$0x0] =	sbarrier.arrive $0xFFFF  }
0x104: {  	s20 =	stileid.u32;
	s16 =	rddreg [dreg:$0x1a]  }
0x105: {  	[hbm4b:s16+s5] =	stream.linear.scatter [tilespmem:s28], [sflag:$0x5], $0x2800, $0x38;
	[tilespmem:$0x1E300] =	vst v63  }
0x106: {  	s16 =	sshll.u32 s20, $0x6  }
0x107: {  	s17 =	sshrl.u32 s21, $0x3;
	s18 =	rddreg [dreg:$0xa];
	s16 =	sor.u32 $0x1C05, s16  }
0x108: {  	[hbm:s18], [sflag:s16] =	dma.local [spmem:s17], $0x500  }
0x109: {  	s20 =	rddreg [dreg:$0x12]  }
0x10a: {  	s19 =	smov.u32 s21;
	s18 =	rddreg [dreg:$0xb];
	s21 =	sshrl.u32 s20, $0x3  }
0x10b: {  	[hbm:s18], [sflag:s16] =	dma.local [spmem:s21], $0x500  }
0x10c: {  	s17 =	rddreg [dreg:$0x13]  }
0x10d: {  	s18 =	rddreg [dreg:$0xc];
	s17 =	sshrl.u32 s17, $0x3  }
0x10e: {  	[hbm:s18], [sflag:s16] =	dma.local [spmem:s17], $0x500  }
0x10f: {  	s17 =	rddreg [dreg:$0x14]  }
0x110: {  	s18 =	rddreg [dreg:$0xd];
	s17 =	sshrl.u32 s17, $0x3  }
0x111: {  	[hbm:s18], [sflag:s16] =	dma.local [spmem:s17], $0x500  }
0x112: {  	s17 =	rddreg [dreg:$0x15]  }
0x113: {  	s18 =	rddreg [dreg:$0xe];
	s17 =	sshrl.u32 s17, $0x3  }
0x114: {  	[hbm:s18], [sflag:s16] =	dma.local [spmem:s17], $0x500  }
0x115: {  	s17 =	rddreg [dreg:$0x16]  }
0x116: {  	s18 =	rddreg [dreg:$0xf];
	s17 =	sshrl.u32 s17, $0x3  }
0x117: {  	[hbm:s18], [sflag:s16] =	dma.local [spmem:s17], $0x500  }
0x118: {  	s17 =	rddreg [dreg:$0x17]  }
0x119: {  	s18 =	rddreg [dreg:$0x10];
	s17 =	sshrl.u32 s17, $0x3  }
0x11a: {  	[hbm:s18], [sflag:s16] =	dma.local [spmem:s17], $0x500  }
0x11b: {  	s17 =	rddreg [dreg:$0x18]  }
0x11c: {  	s18 =	rddreg [dreg:$0x11];
	s17 =	sshrl.u32 s17, $0x3  }
0x11d: {  	[hbm:s18], [sflag:s16] =	dma.local [spmem:s17], $0x500  }
0x11e: {  	_ =	swait.ge [sflag:s2], $0x2800  }
0x11f: {  	[sflag:s2] =	ssyncset.done $0x0  }
0x120: {  	[sflag:s2] =	ssyncadd.s32 $0xFFFFD800  }
0x121: {  	_ =	swait.ge [sflag:s2], $0x500  }
0x122: {  	[sflag:s2] =	ssyncset.done $0x0  }
0x123: {  	[sflag:s2] =	ssyncadd.s32 $0xFFFFFB00  }
0x124: {  	_ =	swait.ge [sflag:s2], $0x500  }
0x125: {  	[sflag:s2] =	ssyncset.done $0x0  }
0x126: {  	[sflag:s2] =	ssyncadd.s32 $0xFFFFFB00  }
0x127: {  	_ =	swait.ge [sflag:s2], $0x500  }
0x128: {  	[sflag:s2] =	ssyncset.done $0x0  }
0x129: {  	[sflag:s2] =	ssyncadd.s32 $0xFFFFFB00  }
0x12a: {  	_ =	swait.ge [sflag:s2], $0x500  }
0x12b: {  	[sflag:s2] =	ssyncset.done $0x0  }
0x12c: {  	[sflag:s2] =	ssyncadd.s32 $0xFFFFFB00  }
0x12d: {  	_ =	swait.ge [sflag:s2], $0x500  }
0x12e: {  	[sflag:s2] =	ssyncset.done $0x0  }
0x12f: {  	[sflag:s2] =	ssyncadd.s32 $0xFFFFFB00  }
0x130: {  	_ =	swait.ge [sflag:s2], $0x500  }
0x131: {  	[sflag:s2] =	ssyncset.done $0x0  }
0x132: {  	[sflag:s2] =	ssyncadd.s32 $0xFFFFFB00  }
0x133: {  	_ =	swait.ge [sflag:s2], $0x500  }
0x134: {  	[sflag:s2] =	ssyncset.done $0x0  }
0x135: {  	[sflag:s2] =	ssyncadd.s32 $0xFFFFFB00  }
0x136: {  	_ =	swait.ge [sflag:s2], $0x500  }
0x137: {  	s15 =	sadd.s32 $0x1, s15;
	s21 =	rddreg [dreg:$0x1b]  }
0x138: {  	p0 =	sne.s32 s15, s21  }
.Ltmp3:
0x139: {  	_ = 	snop;
	(pc) =	sbr.rel @p0 .LBB2_1-.Ltmp3, $3  }
0x13a: {  	_ =	sdelay $0x1  }
0x13b: {  	[sflag:s2] =	ssyncset.done $0x0  }
0x13c: {  	[sflag:s2] =	ssyncadd.s32 $0xFFFFFB00  }
0x13d: {  	_ =	sfence.sel $0x180000  }
0x13e: {  	[bflag:$0x0] =	sbarrier.arrive $0xFFFF  }
0x13f: {  	_ =	strace $0x90000047  }
0x140: {  	s0 =	stileid.u32;
	[bflag:$0x2] =	sbarrier.arrive $0xFFFF  }
0x141: {  	p0 =	sne.s32 s0, $0x0;
	s0 =	rddreg [dreg:$0x4]  }
0x142: {  	s0 =	sadd.s32 @!p0 $0x100000, s0  }
0x143: {  	[sflag:s0] =	ssyncadd.tile.s32 @!p0 $0x1;
	_ =	shalt  }
.Lfunc_end2:
_tile_overlayer_lowered:
.L_overlay_start_2:
0x144: {  	(tag) =	ssettag $0x2  }
0x145: {  	s0 =	rddreg [dreg:$0x0];
	s2 =	stileid.u32  }
0x146: {  	s1 =	rddreg [dreg:$0x1];
	p0 =	sne.s32 s2, $0x0  }
0x147: {  	s3 =	rddreg [dreg:$0x2];
	[bflag:$0x3] =	sbarrier.arrive $0xFFFF;
	s2 =	simm.s32 @!p0 $0x1C0B  }
0x148: {  	[timem:s3], [sflag:s2] =	dma.local @!p0 [hbm:s0], s1  }
0x149: {  	s0 =	simm.s32 @!p0 $0xB  }
0x14a: {  	_ =	swait.ge @!p0 [sflag:s0], s1  }
0x14b: {  	s1 =	ssub.s32 @!p0 $0x0, s1;
	[sflag:s0] =	ssyncset.done @!p0 $0x0  }
0x14c: {  	[sflag:s0] =	ssyncadd.s32 @!p0 s1  }
0x14d: {  	[bflag:$0x3] =	sbarrier.arrive $0xFFFF  }
0x14e: {  	_ =	shalt  }

</sc_bundles>
